<compile_context>
chip_gen: v7x
topology: tpu7x:2x2x1
jax: 0.10.2.dev20260603
libtpu: 0.0.44.dev20260713+nightly
codegen_flags: <defaults>
</compile_context>

<pallas_src>
import functools
import numpy as np
import jax
import jax.numpy as jnp
from jax import lax
from jax.experimental import pallas as pl
from jax.experimental.pallas import tpu as pltpu
from jax.experimental.pallas import tpu_sc as plsc

_D = 256
_SEQ = 200
_SCALE = np.float32(np.sqrt(np.float32(_D)))
_NC = 2
_NS = 16
_NW = _NC * _NS
_R = 128
_LANES = 16


def _pos_encoding(length, depth):
    depth_h = depth / 2
    positions = np.arange(length)[:, np.newaxis]
    depths = np.arange(depth_h)[np.newaxis, :] / depth_h
    angle_rates = 1 / 10000 ** depths
    angle_rads = positions * angle_rates
    return np.concatenate([np.sin(angle_rads), np.cos(angle_rads)],
                          axis=-1).astype(np.float32)


@functools.partial(jax.jit, static_argnames=("chunks_per_tile",))
def _sc_embed(idx3, table, pos, *, chunks_per_tile):
    rows_per_tile = chunks_per_tile * _R
    total = _NW * rows_per_tile
    mesh = plsc.VectorSubcoreMesh(core_axis_name="c", subcore_axis_name="s")

    @functools.partial(
        pl.kernel,
        mesh=mesh,
        out_type=jax.ShapeDtypeStruct((total, _D), jnp.float32),
        scratch_types=[
            pltpu.VMEM((chunks_per_tile, _R), jnp.int32),
            pltpu.VMEM((_SEQ, _D), jnp.float32),
            pltpu.VMEM((_R, _D), jnp.float32),
            pltpu.VMEM((_R, _D), jnp.float32),
            pltpu.SemaphoreType.DMA,
            pltpu.SemaphoreType.DMA,
            pltpu.SemaphoreType.DMA,
            pltpu.SemaphoreType.DMA,
        ],
    )
    def k(idx_hbm, table_hbm, pos_hbm, out_hbm,
          idx_v, pos_v, buf_a, buf_b, gs_a, gs_b, os_a, os_b):
        wid = lax.axis_index("s") * _NC + lax.axis_index("c")
        base = wid * rows_per_tile
        pltpu.sync_copy(idx_hbm.at[wid], idx_v)
        pltpu.sync_copy(pos_hbm, pos_v)

        def gather_start(c, buf, sem):
            pltpu.async_copy(table_hbm.at[idx_v.at[c]], buf, sem)

        def gather_wait(c, buf, sem):
            pltpu.make_async_copy(table_hbm.at[idx_v.at[c]], buf, sem).wait()

        def out_start(c, buf, sem):
            pltpu.async_copy(buf, out_hbm.at[pl.ds(base + c * _R, _R)], sem)

        def out_wait(c, buf, sem):
            pltpu.make_async_copy(
                buf, out_hbm.at[pl.ds(base + c * _R, _R)], sem).wait()

        def compute(buf, c):
            j0 = lax.rem(c * _R, _SEQ)

            def body(r, carry):
                row = j0 + r
                row = jnp.where(row >= _SEQ, row - _SEQ, row)
                nk = _D // _LANES
                sls = [pl.ds(kk * _LANES, _LANES) for kk in range(nk)]
                gs = [buf[r, sl] for sl in sls]
                ps = [pos_v[row, sl] for sl in sls]
                for kk in range(nk):
                    buf[r, sls[kk]] = gs[kk] * _SCALE + ps[kk]
                return carry
            lax.fori_loop(0, _R, body, 0)

        gather_start(0, buf_a, gs_a)

        def pair(g, carry):
            c0 = 2 * g
            gather_wait(c0, buf_a, gs_a)

            @pl.when(g > 0)
            def _():
                out_wait(c0 - 1, buf_b, os_b)

            gather_start(c0 + 1, buf_b, gs_b)
            compute(buf_a, c0)
            out_start(c0, buf_a, os_a)

            gather_wait(c0 + 1, buf_b, gs_b)
            out_wait(c0, buf_a, os_a)

            @pl.when(g < chunks_per_tile // 2 - 1)
            def _():
                gather_start(c0 + 2, buf_a, gs_a)

            compute(buf_b, c0 + 1)
            out_start(c0 + 1, buf_b, os_b)
            return carry

        lax.fori_loop(0, chunks_per_tile // 2, pair, 0)
        out_wait(chunks_per_tile - 1, buf_b, os_b)

    return k(idx3, table, pos)


def kernel(input, table):
    b, s = input.shape
    d = table.shape[1]
    assert d == _D and s == _SEQ and (b * s) % (_NW * 2 * _R) == 0, (b, s, d)
    chunks_per_tile = (b * s) // (_NW * _R)
    idx3 = jnp.asarray(input, jnp.int32).reshape(_NW, chunks_per_tile, _R)
    pos = jnp.asarray(_pos_encoding(_SEQ, _D))
    out = _sc_embed(idx3, table, pos, chunks_per_tile=chunks_per_tile)
    return out.reshape(b, s, _D)

# --- scband reference (transcript-rebuilt; emitter-appended) ---
"""Pipeline reference for scband-input-embedding-11665131175957 (READ-ONLY COPY).

The authoritative reference and input builder live on the scoring server;
editing this copy changes nothing except your own understanding.
"""

import jax, jax.numpy as jnp
import numpy as np

VOCAB_SIZE = 100000
EMBED_DIM = 256
TRANSFORMER_N = 200

def positional_encoding(length, depth):
    depth_h = depth / 2
    positions = np.arange(length)[:, np.newaxis]
    depths = np.arange(depth_h)[np.newaxis, :] / depth_h
    angle_rates = 1 / 10000 ** depths
    angle_rads = positions * angle_rates
    pos_encoding = np.concatenate([np.sin(angle_rads), np.cos(angle_rads)], axis=-1)
    return jnp.asarray(pos_encoding, dtype=jnp.float32)

def setup_inputs(seed: int = 0) -> dict:
    key = jax.random.key(seed)
    k1, k2 = jax.random.split(key)
    indices = jax.random.randint(k1, (1024, 200), 0, VOCAB_SIZE, dtype=jnp.int64 if jax.config.jax_enable_x64 else jnp.int32)
    table = jax.random.normal(k2, (VOCAB_SIZE + 1, EMBED_DIM), dtype=jnp.float32) * 0.02
    return {"input": indices, "table": table}

def reference(input, table):
    length = input.shape[1]
    pos = positional_encoding(TRANSFORMER_N, EMBED_DIM)
    x = jnp.take(table, input, axis=0)
    x = x * jnp.sqrt(jnp.asarray(EMBED_DIM, dtype=jnp.float32))
    x = x + pos[jnp.newaxis, :length, :]
    # dropout is identity at inference
    return x

if __name__ == "__main__":
    import jax
    _d = setup_inputs()
    print(jax.jit(kernel)(*tuple(_d.values())))

</pallas_src>

<mosaic_0001>
#map = affine_map<(d0, d1) -> (0, 0, 0)>
#map1 = affine_map<(d0, d1) -> (0, 0)>
module attributes {stable_mosaic.version = 14 : i64} {
  func.func @k(%arg0: i32, %arg1: i32, %arg2: memref<32x50x128xi32, #tpu.memory_space<hbm>>, %arg3: memref<100001x256xf32, #tpu.memory_space<hbm>>, %arg4: memref<200x256xf32, #tpu.memory_space<hbm>>, %arg5: memref<204800x256xf32, #tpu.memory_space<hbm>>, %arg6: memref<50x128xi32, #tpu.memory_space<vmem>>, %arg7: memref<200x256xf32, #tpu.memory_space<vmem>>, %arg8: memref<128x256xf32, #tpu.memory_space<vmem>>, %arg9: memref<128x256xf32, #tpu.memory_space<vmem>>, %arg10: memref<!tpu.dma_semaphore, #tpu.memory_space<semaphore_mem>>, %arg11: memref<!tpu.dma_semaphore, #tpu.memory_space<semaphore_mem>>, %arg12: memref<!tpu.dma_semaphore, #tpu.memory_space<semaphore_mem>>, %arg13: memref<!tpu.dma_semaphore, #tpu.memory_space<semaphore_mem>>) attributes {dimension_semantics = [#tpu.dimension_semantics<core_parallel>, #tpu.dimension_semantics<subcore_parallel>], iteration_bounds = array<i64: 2, 16>, scalar_prefetch = 0 : i64, scratch_operands = 8 : i64, tpu.core_type = #tpu.core_type<sc_vector_subcore>, window_params = [{transform_indices = #map}, {transform_indices = #map1}, {transform_indices = #map1}, {transform_indices = #map1}]} {
    %mul3A = arith.constant 2 : i32
    %mul3A_0 = arith.muli %arg1, %mul3A : i32
    %add3A = arith.addi %mul3A_0, %arg0 : i32
    %mul3A_1 = arith.constant 6400 : i32
    %mul3A_2 = arith.muli %add3A, %mul3A_1 : i32
    "tpu.region"() ({
      %run_scoped3A = tpu.sem_alloc : memref<!tpu.dma_semaphore, #tpu.memory_space<semaphore_mem>>
      %dma_start3A_19 = arith.constant 0 : i32
      %dma_start3A_20 = arith.constant 0 : i32
      %dma_start3A_21 = tpu.memref_slice %arg2[%add3A, %dma_start3A_19, %dma_start3A_20] : memref<32x50x128xi32, #tpu.memory_space<hbm>> -> memref<1x50x128xi32, #tpu.memory_space<hbm>>
      %dma_start3A_22 = tpu.memref_squeeze %dma_start3A_21 : memref<1x50x128xi32, #tpu.memory_space<hbm>> -> memref<50x128xi32, #tpu.memory_space<hbm>>
      %dma_start3A_23 = arith.constant 0 : i32
      %dma_start3A_24 = arith.constant 0 : i32
      %dma_start3A_25 = tpu.memref_slice %arg2[%add3A, %dma_start3A_23, %dma_start3A_24] : memref<32x50x128xi32, #tpu.memory_space<hbm>> -> memref<1x50x128xi32, #tpu.memory_space<hbm>>
      %dma_start3A_26 = tpu.memref_squeeze %dma_start3A_25 : memref<1x50x128xi32, #tpu.memory_space<hbm>> -> memref<50x128xi32, #tpu.memory_space<hbm>>
      tpu.enqueue_dma source(%dma_start3A_26 : memref<50x128xi32, #tpu.memory_space<hbm>>) target(%arg6 : memref<50x128xi32, #tpu.memory_space<vmem>>) target_semaphore(%run_scoped3A : memref<!tpu.dma_semaphore, #tpu.memory_space<semaphore_mem>>)
      %dma_wait3A_27 = arith.constant 0 : i32
      %dma_wait3A_28 = arith.constant 0 : i32
      %dma_wait3A_29 = tpu.memref_slice %arg2[%add3A, %dma_wait3A_27, %dma_wait3A_28] : memref<32x50x128xi32, #tpu.memory_space<hbm>> -> memref<1x50x128xi32, #tpu.memory_space<hbm>>
      %dma_wait3A_30 = tpu.memref_squeeze %dma_wait3A_29 : memref<1x50x128xi32, #tpu.memory_space<hbm>> -> memref<50x128xi32, #tpu.memory_space<hbm>>
      %dma_wait3A_31 = arith.constant 0 : i32
      %dma_wait3A_32 = arith.constant 0 : i32
      %dma_wait3A_33 = tpu.memref_slice %arg2[%add3A, %dma_wait3A_31, %dma_wait3A_32] : memref<32x50x128xi32, #tpu.memory_space<hbm>> -> memref<1x50x128xi32, #tpu.memory_space<hbm>>
      %dma_wait3A_34 = tpu.memref_squeeze %dma_wait3A_33 : memref<1x50x128xi32, #tpu.memory_space<hbm>> -> memref<50x128xi32, #tpu.memory_space<hbm>>
      tpu.wait_dma2 semaphore(%run_scoped3A : memref<!tpu.dma_semaphore, #tpu.memory_space<semaphore_mem>>) src(%dma_wait3A_34 : memref<50x128xi32, #tpu.memory_space<hbm>>) dst(%arg6 : memref<50x128xi32, #tpu.memory_space<vmem>>)
      tpu.yield
    }) : () -> ()
    "tpu.region"() ({
      %run_scoped3A = tpu.sem_alloc : memref<!tpu.dma_semaphore, #tpu.memory_space<semaphore_mem>>
      tpu.enqueue_dma source(%arg4 : memref<200x256xf32, #tpu.memory_space<hbm>>) target(%arg7 : memref<200x256xf32, #tpu.memory_space<vmem>>) target_semaphore(%run_scoped3A : memref<!tpu.dma_semaphore, #tpu.memory_space<semaphore_mem>>)
      tpu.wait_dma2 semaphore(%run_scoped3A : memref<!tpu.dma_semaphore, #tpu.memory_space<semaphore_mem>>) src(%arg4 : memref<200x256xf32, #tpu.memory_space<hbm>>) dst(%arg7 : memref<200x256xf32, #tpu.memory_space<vmem>>)
      tpu.yield
    }) : () -> ()
    %dma_start3A = arith.constant 0 : i32
    %dma_start3A_3 = arith.constant 0 : i32
    %dma_start3A_4 = tpu.memref_slice %arg6[%dma_start3A, %dma_start3A_3] : memref<50x128xi32, #tpu.memory_space<vmem>> -> memref<1x128xi32, #tpu.memory_space<vmem>>
    %dma_start3A_5 = tpu.memref_squeeze %dma_start3A_4 : memref<1x128xi32, #tpu.memory_space<vmem>> -> memref<128xi32, #tpu.memory_space<vmem>>
    %dma_start3A_6 = arith.constant 0 : i32
    %dma_start3A_7 = arith.constant 0 : i32
    %dma_start3A_8 = tpu.memref_slice %arg3[%dma_start3A_6, %dma_start3A_7] : memref<100001x256xf32, #tpu.memory_space<hbm>> -> memref<100001x256xf32, #tpu.memory_space<hbm>>
    tpu.enqueue_indirect_dma source(%dma_start3A_8 : memref<100001x256xf32, #tpu.memory_space<hbm>>) target(%arg8 : memref<128x256xf32, #tpu.memory_space<vmem>>) offsets(%dma_start3A_5 : memref<128xi32, #tpu.memory_space<vmem>>) semaphore(%arg10 : memref<!tpu.dma_semaphore, #tpu.memory_space<semaphore_mem>>)
    %scan3A = arith.constant 0 : i32
    %scan3A_9 = arith.constant 0 : i32
    %scan3A_10 = arith.constant 25 : i32
    %scan3A_11 = arith.addi %scan3A_9, %scan3A_10 : i32
    %scan3A_12 = arith.constant 1 : i32
    scf.for %scan3A_19 = %scan3A_9 to %scan3A_11 step %scan3A_12  : i32 {
      %mul3A_20 = arith.constant 2 : i32
      %mul3A_21 = arith.muli %mul3A_20, %scan3A_19 : i32
      %dma_wait3A_22 = arith.constant 0 : i32
      %dma_wait3A_23 = tpu.memref_slice %arg6[%mul3A_21, %dma_wait3A_22] : memref<50x128xi32, #tpu.memory_space<vmem>> -> memref<1x128xi32, #tpu.memory_space<vmem>>
      %dma_wait3A_24 = tpu.memref_squeeze %dma_wait3A_23 : memref<1x128xi32, #tpu.memory_space<vmem>> -> memref<128xi32, #tpu.memory_space<vmem>>
      %dma_wait3A_25 = arith.constant 0 : i32
      %dma_wait3A_26 = arith.constant 0 : i32
      %dma_wait3A_27 = tpu.memref_slice %arg3[%dma_wait3A_25, %dma_wait3A_26] : memref<100001x256xf32, #tpu.memory_space<hbm>> -> memref<100001x256xf32, #tpu.memory_space<hbm>>
      tpu.wait_indirect_dma semaphore(%arg10 : memref<!tpu.dma_semaphore, #tpu.memory_space<semaphore_mem>>) src(%dma_wait3A_27 : memref<100001x256xf32, #tpu.memory_space<hbm>>) dst(%arg8 : memref<128x256xf32, #tpu.memory_space<vmem>>)
      %gt3A = arith.constant 0 : i32
      %gt3A_28 = arith.cmpi sgt, %scan3A_19, %gt3A : i32
      %convert_element_type3A = arith.extui %gt3A_28 : i1 to i32
      %cond3A = arith.constant 0 : i32
      %cond3A_29 = arith.cmpi ne, %convert_element_type3A, %cond3A : i32
      scf.if %cond3A_29 {
        %sub3A = arith.constant 1 : i32
        %sub3A_94 = arith.subi %mul3A_21, %sub3A : i32
        %mul3A_95 = arith.constant 128 : i32
        %mul3A_96 = arith.muli %sub3A_94, %mul3A_95 : i32
        %add3A_97 = arith.addi %mul3A_2, %mul3A_96 : i32
        %dma_wait3A_98 = arith.constant 0 : i32
        %dma_wait3A_99 = tpu.memref_slice %arg5[%add3A_97, %dma_wait3A_98] : memref<204800x256xf32, #tpu.memory_space<hbm>> -> memref<128x256xf32, #tpu.memory_space<hbm>>
        %dma_wait3A_100 = arith.constant 0 : i32
        %dma_wait3A_101 = tpu.memref_slice %arg5[%add3A_97, %dma_wait3A_100] : memref<204800x256xf32, #tpu.memory_space<hbm>> -> memref<128x256xf32, #tpu.memory_space<hbm>>
        tpu.wait_dma2 semaphore(%arg13 : memref<!tpu.dma_semaphore, #tpu.memory_space<semaphore_mem>>) src(%arg9 : memref<128x256xf32, #tpu.memory_space<vmem>>) dst(%dma_wait3A_101 : memref<128x256xf32, #tpu.memory_space<hbm>>)
      } else {
      }
      %add3A_30 = arith.constant 1 : i32
      %add3A_31 = arith.addi %mul3A_21, %add3A_30 : i32
      %dma_start3A_32 = arith.constant 0 : i32
      %dma_start3A_33 = tpu.memref_slice %arg6[%add3A_31, %dma_start3A_32] : memref<50x128xi32, #tpu.memory_space<vmem>> -> memref<1x128xi32, #tpu.memory_space<vmem>>
      %dma_start3A_34 = tpu.memref_squeeze %dma_start3A_33 : memref<1x128xi32, #tpu.memory_space<vmem>> -> memref<128xi32, #tpu.memory_space<vmem>>
      %dma_start3A_35 = arith.constant 0 : i32
      %dma_start3A_36 = arith.constant 0 : i32
      %dma_start3A_37 = tpu.memref_slice %arg3[%dma_start3A_35, %dma_start3A_36] : memref<100001x256xf32, #tpu.memory_space<hbm>> -> memref<100001x256xf32, #tpu.memory_space<hbm>>
      tpu.enqueue_indirect_dma source(%dma_start3A_37 : memref<100001x256xf32, #tpu.memory_space<hbm>>) target(%arg9 : memref<128x256xf32, #tpu.memory_space<vmem>>) offsets(%dma_start3A_34 : memref<128xi32, #tpu.memory_space<vmem>>) semaphore(%arg11 : memref<!tpu.dma_semaphore, #tpu.memory_space<semaphore_mem>>)
      %mul3A_38 = arith.constant 128 : i32
      %mul3A_39 = arith.muli %mul3A_21, %mul3A_38 : i32
      %rem3A = arith.constant 200 : i32
      %rem3A_40 = arith.remsi %mul3A_39, %rem3A : i32
      %scan3A_41 = arith.constant 0 : i32
      %scan3A_42 = arith.constant 0 : i32
      %scan3A_43 = arith.constant 128 : i32
      %scan3A_44 = arith.addi %scan3A_42, %scan3A_43 : i32
      %scan3A_45 = arith.constant 1 : i32
      scf.for %scan3A_94 = %scan3A_42 to %scan3A_44 step %scan3A_45  : i32 {
        %add3A_95 = arith.addi %rem3A_40, %scan3A_94 : i32
        %ge3A = arith.constant 200 : i32
        %ge3A_96 = arith.cmpi sge, %add3A_95, %ge3A : i32
        %sub3A = arith.constant 200 : i32
        %sub3A_97 = arith.subi %add3A_95, %sub3A : i32
        %select_n3A = arith.select %ge3A_96, %sub3A_97, %add3A_95 : i32
        %get3A = arith.index_cast %scan3A_94 : i32 to index
        %get3A_98 = arith.constant 0 : index
        %get3A_99 = tpu.vector_load %arg8[%get3A, %get3A_98] {strides = array<i32>} : memref<128x256xf32, #tpu.memory_space<vmem>>, vector<1x16xf32>,
        %get3A_100 = vector.shape_cast %get3A_99 : vector<1x16xf32> to vector<16xf32>
        %get3A_101 = arith.index_cast %scan3A_94 : i32 to index
        %get3A_102 = arith.constant 16 : index
        %get3A_103 = tpu.vector_load %arg8[%get3A_101, %get3A_102] {strides = array<i32>} : memref<128x256xf32, #tpu.memory_space<vmem>>, vector<1x16xf32>,
        %get3A_104 = vector.shape_cast %get3A_103 : vector<1x16xf32> to vector<16xf32>
        %get3A_105 = arith.index_cast %scan3A_94 : i32 to index
        %get3A_106 = arith.constant 32 : index
        %get3A_107 = tpu.vector_load %arg8[%get3A_105, %get3A_106] {strides = array<i32>} : memref<128x256xf32, #tpu.memory_space<vmem>>, vector<1x16xf32>,
        %get3A_108 = vector.shape_cast %get3A_107 : vector<1x16xf32> to vector<16xf32>
        %get3A_109 = arith.index_cast %scan3A_94 : i32 to index
        %get3A_110 = arith.constant 48 : index
        %get3A_111 = tpu.vector_load %arg8[%get3A_109, %get3A_110] {strides = array<i32>} : memref<128x256xf32, #tpu.memory_space<vmem>>, vector<1x16xf32>,
        %get3A_112 = vector.shape_cast %get3A_111 : vector<1x16xf32> to vector<16xf32>
        %get3A_113 = arith.index_cast %scan3A_94 : i32 to index
        %get3A_114 = arith.constant 64 : index
        %get3A_115 = tpu.vector_load %arg8[%get3A_113, %get3A_114] {strides = array<i32>} : memref<128x256xf32, #tpu.memory_space<vmem>>, vector<1x16xf32>,
        %get3A_116 = vector.shape_cast %get3A_115 : vector<1x16xf32> to vector<16xf32>
        %get3A_117 = arith.index_cast %scan3A_94 : i32 to index
        %get3A_118 = arith.constant 80 : index
        %get3A_119 = tpu.vector_load %arg8[%get3A_117, %get3A_118] {strides = array<i32>} : memref<128x256xf32, #tpu.memory_space<vmem>>, vector<1x16xf32>,
        %get3A_120 = vector.shape_cast %get3A_119 : vector<1x16xf32> to vector<16xf32>
        %get3A_121 = arith.index_cast %scan3A_94 : i32 to index
        %get3A_122 = arith.constant 96 : index
        %get3A_123 = tpu.vector_load %arg8[%get3A_121, %get3A_122] {strides = array<i32>} : memref<128x256xf32, #tpu.memory_space<vmem>>, vector<1x16xf32>,
        %get3A_124 = vector.shape_cast %get3A_123 : vector<1x16xf32> to vector<16xf32>
        %get3A_125 = arith.index_cast %scan3A_94 : i32 to index
        %get3A_126 = arith.constant 112 : index
        %get3A_127 = tpu.vector_load %arg8[%get3A_125, %get3A_126] {strides = array<i32>} : memref<128x256xf32, #tpu.memory_space<vmem>>, vector<1x16xf32>,
        %get3A_128 = vector.shape_cast %get3A_127 : vector<1x16xf32> to vector<16xf32>
        %get3A_129 = arith.index_cast %scan3A_94 : i32 to index
        %get3A_130 = arith.constant 128 : index
        %get3A_131 = tpu.vector_load %arg8[%get3A_129, %get3A_130] {strides = array<i32>} : memref<128x256xf32, #tpu.memory_space<vmem>>, vector<1x16xf32>,
        %get3A_132 = vector.shape_cast %get3A_131 : vector<1x16xf32> to vector<16xf32>
        %get3A_133 = arith.index_cast %scan3A_94 : i32 to index
        %get3A_134 = arith.constant 144 : index
        %get3A_135 = tpu.vector_load %arg8[%get3A_133, %get3A_134] {strides = array<i32>} : memref<128x256xf32, #tpu.memory_space<vmem>>, vector<1x16xf32>,
        %get3A_136 = vector.shape_cast %get3A_135 : vector<1x16xf32> to vector<16xf32>
        %get3A_137 = arith.index_cast %scan3A_94 : i32 to index
        %get3A_138 = arith.constant 160 : index
        %get3A_139 = tpu.vector_load %arg8[%get3A_137, %get3A_138] {strides = array<i32>} : memref<128x256xf32, #tpu.memory_space<vmem>>, vector<1x16xf32>,
        %get3A_140 = vector.shape_cast %get3A_139 : vector<1x16xf32> to vector<16xf32>
        %get3A_141 = arith.index_cast %scan3A_94 : i32 to index
        %get3A_142 = arith.constant 176 : index
        %get3A_143 = tpu.vector_load %arg8[%get3A_141, %get3A_142] {strides = array<i32>} : memref<128x256xf32, #tpu.memory_space<vmem>>, vector<1x16xf32>,
        %get3A_144 = vector.shape_cast %get3A_143 : vector<1x16xf32> to vector<16xf32>
        %get3A_145 = arith.index_cast %scan3A_94 : i32 to index
        %get3A_146 = arith.constant 192 : index
        %get3A_147 = tpu.vector_load %arg8[%get3A_145, %get3A_146] {strides = array<i32>} : memref<128x256xf32, #tpu.memory_space<vmem>>, vector<1x16xf32>,
        %get3A_148 = vector.shape_cast %get3A_147 : vector<1x16xf32> to vector<16xf32>
        %get3A_149 = arith.index_cast %scan3A_94 : i32 to index
        %get3A_150 = arith.constant 208 : index
        %get3A_151 = tpu.vector_load %arg8[%get3A_149, %get3A_150] {strides = array<i32>} : memref<128x256xf32, #tpu.memory_space<vmem>>, vector<1x16xf32>,
        %get3A_152 = vector.shape_cast %get3A_151 : vector<1x16xf32> to vector<16xf32>
        %get3A_153 = arith.index_cast %scan3A_94 : i32 to index
        %get3A_154 = arith.constant 224 : index
        %get3A_155 = tpu.vector_load %arg8[%get3A_153, %get3A_154] {strides = array<i32>} : memref<128x256xf32, #tpu.memory_space<vmem>>, vector<1x16xf32>,
        %get3A_156 = vector.shape_cast %get3A_155 : vector<1x16xf32> to vector<16xf32>
        %get3A_157 = arith.index_cast %scan3A_94 : i32 to index
        %get3A_158 = arith.constant 240 : index
        %get3A_159 = tpu.vector_load %arg8[%get3A_157, %get3A_158] {strides = array<i32>} : memref<128x256xf32, #tpu.memory_space<vmem>>, vector<1x16xf32>,
        %get3A_160 = vector.shape_cast %get3A_159 : vector<1x16xf32> to vector<16xf32>
        %get3A_161 = arith.index_cast %select_n3A : i32 to index
        %get3A_162 = arith.constant 0 : index
        %get3A_163 = tpu.vector_load %arg7[%get3A_161, %get3A_162] {strides = array<i32>} : memref<200x256xf32, #tpu.memory_space<vmem>>, vector<1x16xf32>,
        %get3A_164 = vector.shape_cast %get3A_163 : vector<1x16xf32> to vector<16xf32>
        %get3A_165 = arith.index_cast %select_n3A : i32 to index
        %get3A_166 = arith.constant 16 : index
        %get3A_167 = tpu.vector_load %arg7[%get3A_165, %get3A_166] {strides = array<i32>} : memref<200x256xf32, #tpu.memory_space<vmem>>, vector<1x16xf32>,
        %get3A_168 = vector.shape_cast %get3A_167 : vector<1x16xf32> to vector<16xf32>
        %get3A_169 = arith.index_cast %select_n3A : i32 to index
        %get3A_170 = arith.constant 32 : index
        %get3A_171 = tpu.vector_load %arg7[%get3A_169, %get3A_170] {strides = array<i32>} : memref<200x256xf32, #tpu.memory_space<vmem>>, vector<1x16xf32>,
        %get3A_172 = vector.shape_cast %get3A_171 : vector<1x16xf32> to vector<16xf32>
        %get3A_173 = arith.index_cast %select_n3A : i32 to index
        %get3A_174 = arith.constant 48 : index
        %get3A_175 = tpu.vector_load %arg7[%get3A_173, %get3A_174] {strides = array<i32>} : memref<200x256xf32, #tpu.memory_space<vmem>>, vector<1x16xf32>,
        %get3A_176 = vector.shape_cast %get3A_175 : vector<1x16xf32> to vector<16xf32>
        %get3A_177 = arith.index_cast %select_n3A : i32 to index
        %get3A_178 = arith.constant 64 : index
        %get3A_179 = tpu.vector_load %arg7[%get3A_177, %get3A_178] {strides = array<i32>} : memref<200x256xf32, #tpu.memory_space<vmem>>, vector<1x16xf32>,
        %get3A_180 = vector.shape_cast %get3A_179 : vector<1x16xf32> to vector<16xf32>
        %get3A_181 = arith.index_cast %select_n3A : i32 to index
        %get3A_182 = arith.constant 80 : index
        %get3A_183 = tpu.vector_load %arg7[%get3A_181, %get3A_182] {strides = array<i32>} : memref<200x256xf32, #tpu.memory_space<vmem>>, vector<1x16xf32>,
        %get3A_184 = vector.shape_cast %get3A_183 : vector<1x16xf32> to vector<16xf32>
        %get3A_185 = arith.index_cast %select_n3A : i32 to index
        %get3A_186 = arith.constant 96 : index
        %get3A_187 = tpu.vector_load %arg7[%get3A_185, %get3A_186] {strides = array<i32>} : memref<200x256xf32, #tpu.memory_space<vmem>>, vector<1x16xf32>,
        %get3A_188 = vector.shape_cast %get3A_187 : vector<1x16xf32> to vector<16xf32>
        %get3A_189 = arith.index_cast %select_n3A : i32 to index
        %get3A_190 = arith.constant 112 : index
        %get3A_191 = tpu.vector_load %arg7[%get3A_189, %get3A_190] {strides = array<i32>} : memref<200x256xf32, #tpu.memory_space<vmem>>, vector<1x16xf32>,
        %get3A_192 = vector.shape_cast %get3A_191 : vector<1x16xf32> to vector<16xf32>
        %get3A_193 = arith.index_cast %select_n3A : i32 to index
        %get3A_194 = arith.constant 128 : index
        %get3A_195 = tpu.vector_load %arg7[%get3A_193, %get3A_194] {strides = array<i32>} : memref<200x256xf32, #tpu.memory_space<vmem>>, vector<1x16xf32>,
        %get3A_196 = vector.shape_cast %get3A_195 : vector<1x16xf32> to vector<16xf32>
        %get3A_197 = arith.index_cast %select_n3A : i32 to index
        %get3A_198 = arith.constant 144 : index
        %get3A_199 = tpu.vector_load %arg7[%get3A_197, %get3A_198] {strides = array<i32>} : memref<200x256xf32, #tpu.memory_space<vmem>>, vector<1x16xf32>,
        %get3A_200 = vector.shape_cast %get3A_199 : vector<1x16xf32> to vector<16xf32>
        %get3A_201 = arith.index_cast %select_n3A : i32 to index
        %get3A_202 = arith.constant 160 : index
        %get3A_203 = tpu.vector_load %arg7[%get3A_201, %get3A_202] {strides = array<i32>} : memref<200x256xf32, #tpu.memory_space<vmem>>, vector<1x16xf32>,
        %get3A_204 = vector.shape_cast %get3A_203 : vector<1x16xf32> to vector<16xf32>
        %get3A_205 = arith.index_cast %select_n3A : i32 to index
        %get3A_206 = arith.constant 176 : index
        %get3A_207 = tpu.vector_load %arg7[%get3A_205, %get3A_206] {strides = array<i32>} : memref<200x256xf32, #tpu.memory_space<vmem>>, vector<1x16xf32>,
        %get3A_208 = vector.shape_cast %get3A_207 : vector<1x16xf32> to vector<16xf32>
        %get3A_209 = arith.index_cast %select_n3A : i32 to index
        %get3A_210 = arith.constant 192 : index
        %get3A_211 = tpu.vector_load %arg7[%get3A_209, %get3A_210] {strides = array<i32>} : memref<200x256xf32, #tpu.memory_space<vmem>>, vector<1x16xf32>,
        %get3A_212 = vector.shape_cast %get3A_211 : vector<1x16xf32> to vector<16xf32>
        %get3A_213 = arith.index_cast %select_n3A : i32 to index
        %get3A_214 = arith.constant 208 : index
        %get3A_215 = tpu.vector_load %arg7[%get3A_213, %get3A_214] {strides = array<i32>} : memref<200x256xf32, #tpu.memory_space<vmem>>, vector<1x16xf32>,
        %get3A_216 = vector.shape_cast %get3A_215 : vector<1x16xf32> to vector<16xf32>
        %get3A_217 = arith.index_cast %select_n3A : i32 to index
        %get3A_218 = arith.constant 224 : index
        %get3A_219 = tpu.vector_load %arg7[%get3A_217, %get3A_218] {strides = array<i32>} : memref<200x256xf32, #tpu.memory_space<vmem>>, vector<1x16xf32>,
        %get3A_220 = vector.shape_cast %get3A_219 : vector<1x16xf32> to vector<16xf32>
        %get3A_221 = arith.index_cast %select_n3A : i32 to index
        %get3A_222 = arith.constant 240 : index
        %get3A_223 = tpu.vector_load %arg7[%get3A_221, %get3A_222] {strides = array<i32>} : memref<200x256xf32, #tpu.memory_space<vmem>>, vector<1x16xf32>,
        %get3A_224 = vector.shape_cast %get3A_223 : vector<1x16xf32> to vector<16xf32>
        %mul3A_225 = arith.constant 1.600000e+01 : f32
        %mul3A_226 = vector.broadcast %mul3A_225 : f32 to vector<16xf32>
        %mul3A_227 = arith.mulf %get3A_100, %mul3A_226 : vector<16xf32>
        %add3A_228 = arith.addf %mul3A_227, %get3A_164 : vector<16xf32>
        %swap3A = arith.index_cast %scan3A_94 : i32 to index
        %swap3A_229 = arith.constant 0 : index
        %swap3A_230 = tpu.vector_load %arg8[%swap3A, %swap3A_229] {strides = array<i32>} : memref<128x256xf32, #tpu.memory_space<vmem>>, vector<1x16xf32>,
        %swap3A_231 = vector.shape_cast %swap3A_230 : vector<1x16xf32> to vector<16xf32>
        %swap3A_232 = vector.shape_cast %add3A_228 : vector<16xf32> to vector<1x16xf32>
        tpu.vector_store %arg8[%swap3A, %swap3A_229], %swap3A_232 {strides = array<i32>} : memref<128x256xf32, #tpu.memory_space<vmem>>, vector<1x16xf32>,
        %mul3A_233 = arith.constant 1.600000e+01 : f32
        %mul3A_234 = vector.broadcast %mul3A_233 : f32 to vector<16xf32>
        %mul3A_235 = arith.mulf %get3A_104, %mul3A_234 : vector<16xf32>
        %add3A_236 = arith.addf %mul3A_235, %get3A_168 : vector<16xf32>
        %swap3A_237 = arith.index_cast %scan3A_94 : i32 to index
        %swap3A_238 = arith.constant 16 : index
        %swap3A_239 = tpu.vector_load %arg8[%swap3A_237, %swap3A_238] {strides = array<i32>} : memref<128x256xf32, #tpu.memory_space<vmem>>, vector<1x16xf32>,
        %swap3A_240 = vector.shape_cast %swap3A_239 : vector<1x16xf32> to vector<16xf32>
        %swap3A_241 = vector.shape_cast %add3A_236 : vector<16xf32> to vector<1x16xf32>
        tpu.vector_store %arg8[%swap3A_237, %swap3A_238], %swap3A_241 {strides = array<i32>} : memref<128x256xf32, #tpu.memory_space<vmem>>, vector<1x16xf32>,
        %mul3A_242 = arith.constant 1.600000e+01 : f32
        %mul3A_243 = vector.broadcast %mul3A_242 : f32 to vector<16xf32>
        %mul3A_244 = arith.mulf %get3A_108, %mul3A_243 : vector<16xf32>
        %add3A_245 = arith.addf %mul3A_244, %get3A_172 : vector<16xf32>
        %swap3A_246 = arith.index_cast %scan3A_94 : i32 to index
        %swap3A_247 = arith.constant 32 : index
        %swap3A_248 = tpu.vector_load %arg8[%swap3A_246, %swap3A_247] {strides = array<i32>} : memref<128x256xf32, #tpu.memory_space<vmem>>, vector<1x16xf32>,
        %swap3A_249 = vector.shape_cast %swap3A_248 : vector<1x16xf32> to vector<16xf32>
        %swap3A_250 = vector.shape_cast %add3A_245 : vector<16xf32> to vector<1x16xf32>
        tpu.vector_store %arg8[%swap3A_246, %swap3A_247], %swap3A_250 {strides = array<i32>} : memref<128x256xf32, #tpu.memory_space<vmem>>, vector<1x16xf32>,
        %mul3A_251 = arith.constant 1.600000e+01 : f32
        %mul3A_252 = vector.broadcast %mul3A_251 : f32 to vector<16xf32>
        %mul3A_253 = arith.mulf %get3A_112, %mul3A_252 : vector<16xf32>
        %add3A_254 = arith.addf %mul3A_253, %get3A_176 : vector<16xf32>
        %swap3A_255 = arith.index_cast %scan3A_94 : i32 to index
        %swap3A_256 = arith.constant 48 : index
        %swap3A_257 = tpu.vector_load %arg8[%swap3A_255, %swap3A_256] {strides = array<i32>} : memref<128x256xf32, #tpu.memory_space<vmem>>, vector<1x16xf32>,
        %swap3A_258 = vector.shape_cast %swap3A_257 : vector<1x16xf32> to vector<16xf32>
        %swap3A_259 = vector.shape_cast %add3A_254 : vector<16xf32> to vector<1x16xf32>
        tpu.vector_store %arg8[%swap3A_255, %swap3A_256], %swap3A_259 {strides = array<i32>} : memref<128x256xf32, #tpu.memory_space<vmem>>, vector<1x16xf32>,
        %mul3A_260 = arith.constant 1.600000e+01 : f32
        %mul3A_261 = vector.broadcast %mul3A_260 : f32 to vector<16xf32>
        %mul3A_262 = arith.mulf %get3A_116, %mul3A_261 : vector<16xf32>
        %add3A_263 = arith.addf %mul3A_262, %get3A_180 : vector<16xf32>
        %swap3A_264 = arith.index_cast %scan3A_94 : i32 to index
        %swap3A_265 = arith.constant 64 : index
        %swap3A_266 = tpu.vector_load %arg8[%swap3A_264, %swap3A_265] {strides = array<i32>} : memref<128x256xf32, #tpu.memory_space<vmem>>, vector<1x16xf32>,
        %swap3A_267 = vector.shape_cast %swap3A_266 : vector<1x16xf32> to vector<16xf32>
        %swap3A_268 = vector.shape_cast %add3A_263 : vector<16xf32> to vector<1x16xf32>
        tpu.vector_store %arg8[%swap3A_264, %swap3A_265], %swap3A_268 {strides = array<i32>} : memref<128x256xf32, #tpu.memory_space<vmem>>, vector<1x16xf32>,
        %mul3A_269 = arith.constant 1.600000e+01 : f32
        %mul3A_270 = vector.broadcast %mul3A_269 : f32 to vector<16xf32>
        %mul3A_271 = arith.mulf %get3A_120, %mul3A_270 : vector<16xf32>
        %add3A_272 = arith.addf %mul3A_271, %get3A_184 : vector<16xf32>
        %swap3A_273 = arith.index_cast %scan3A_94 : i32 to index
        %swap3A_274 = arith.constant 80 : index
        %swap3A_275 = tpu.vector_load %arg8[%swap3A_273, %swap3A_274] {strides = array<i32>} : memref<128x256xf32, #tpu.memory_space<vmem>>, vector<1x16xf32>,
        %swap3A_276 = vector.shape_cast %swap3A_275 : vector<1x16xf32> to vector<16xf32>
        %swap3A_277 = vector.shape_cast %add3A_272 : vector<16xf32> to vector<1x16xf32>
        tpu.vector_store %arg8[%swap3A_273, %swap3A_274], %swap3A_277 {strides = array<i32>} : memref<128x256xf32, #tpu.memory_space<vmem>>, vector<1x16xf32>,
        %mul3A_278 = arith.constant 1.600000e+01 : f32
        %mul3A_279 = vector.broadcast %mul3A_278 : f32 to vector<16xf32>
        %mul3A_280 = arith.mulf %get3A_124, %mul3A_279 : vector<16xf32>
        %add3A_281 = arith.addf %mul3A_280, %get3A_188 : vector<16xf32>
        %swap3A_282 = arith.index_cast %scan3A_94 : i32 to index
        %swap3A_283 = arith.constant 96 : index
        %swap3A_284 = tpu.vector_load %arg8[%swap3A_282, %swap3A_283] {strides = array<i32>} : memref<128x256xf32, #tpu.memory_space<vmem>>, vector<1x16xf32>,
        %swap3A_285 = vector.shape_cast %swap3A_284 : vector<1x16xf32> to vector<16xf32>
        %swap3A_286 = vector.shape_cast %add3A_281 : vector<16xf32> to vector<1x16xf32>
        tpu.vector_store %arg8[%swap3A_282, %swap3A_283], %swap3A_286 {strides = array<i32>} : memref<128x256xf32, #tpu.memory_space<vmem>>, vector<1x16xf32>,
        %mul3A_287 = arith.constant 1.600000e+01 : f32
        %mul3A_288 = vector.broadcast %mul3A_287 : f32 to vector<16xf32>
        %mul3A_289 = arith.mulf %get3A_128, %mul3A_288 : vector<16xf32>
        %add3A_290 = arith.addf %mul3A_289, %get3A_192 : vector<16xf32>
        %swap3A_291 = arith.index_cast %scan3A_94 : i32 to index
        %swap3A_292 = arith.constant 112 : index
        %swap3A_293 = tpu.vector_load %arg8[%swap3A_291, %swap3A_292] {strides = array<i32>} : memref<128x256xf32, #tpu.memory_space<vmem>>, vector<1x16xf32>,
        %swap3A_294 = vector.shape_cast %swap3A_293 : vector<1x16xf32> to vector<16xf32>
        %swap3A_295 = vector.shape_cast %add3A_290 : vector<16xf32> to vector<1x16xf32>
        tpu.vector_store %arg8[%swap3A_291, %swap3A_292], %swap3A_295 {strides = array<i32>} : memref<128x256xf32, #tpu.memory_space<vmem>>, vector<1x16xf32>,
        %mul3A_296 = arith.constant 1.600000e+01 : f32
        %mul3A_297 = vector.broadcast %mul3A_296 : f32 to vector<16xf32>
        %mul3A_298 = arith.mulf %get3A_132, %mul3A_297 : vector<16xf32>
        %add3A_299 = arith.addf %mul3A_298, %get3A_196 : vector<16xf32>
        %swap3A_300 = arith.index_cast %scan3A_94 : i32 to index
        %swap3A_301 = arith.constant 128 : index
        %swap3A_302 = tpu.vector_load %arg8[%swap3A_300, %swap3A_301] {strides = array<i32>} : memref<128x256xf32, #tpu.memory_space<vmem>>, vector<1x16xf32>,
        %swap3A_303 = vector.shape_cast %swap3A_302 : vector<1x16xf32> to vector<16xf32>
        %swap3A_304 = vector.shape_cast %add3A_299 : vector<16xf32> to vector<1x16xf32>
        tpu.vector_store %arg8[%swap3A_300, %swap3A_301], %swap3A_304 {strides = array<i32>} : memref<128x256xf32, #tpu.memory_space<vmem>>, vector<1x16xf32>,
        %mul3A_305 = arith.constant 1.600000e+01 : f32
        %mul3A_306 = vector.broadcast %mul3A_305 : f32 to vector<16xf32>
        %mul3A_307 = arith.mulf %get3A_136, %mul3A_306 : vector<16xf32>
        %add3A_308 = arith.addf %mul3A_307, %get3A_200 : vector<16xf32>
        %swap3A_309 = arith.index_cast %scan3A_94 : i32 to index
        %swap3A_310 = arith.constant 144 : index
        %swap3A_311 = tpu.vector_load %arg8[%swap3A_309, %swap3A_310] {strides = array<i32>} : memref<128x256xf32, #tpu.memory_space<vmem>>, vector<1x16xf32>,
        %swap3A_312 = vector.shape_cast %swap3A_311 : vector<1x16xf32> to vector<16xf32>
        %swap3A_313 = vector.shape_cast %add3A_308 : vector<16xf32> to vector<1x16xf32>
        tpu.vector_store %arg8[%swap3A_309, %swap3A_310], %swap3A_313 {strides = array<i32>} : memref<128x256xf32, #tpu.memory_space<vmem>>, vector<1x16xf32>,
        %mul3A_314 = arith.constant 1.600000e+01 : f32
        %mul3A_315 = vector.broadcast %mul3A_314 : f32 to vector<16xf32>
        %mul3A_316 = arith.mulf %get3A_140, %mul3A_315 : vector<16xf32>
        %add3A_317 = arith.addf %mul3A_316, %get3A_204 : vector<16xf32>
        %swap3A_318 = arith.index_cast %scan3A_94 : i32 to index
        %swap3A_319 = arith.constant 160 : index
        %swap3A_320 = tpu.vector_load %arg8[%swap3A_318, %swap3A_319] {strides = array<i32>} : memref<128x256xf32, #tpu.memory_space<vmem>>, vector<1x16xf32>,
        %swap3A_321 = vector.shape_cast %swap3A_320 : vector<1x16xf32> to vector<16xf32>
        %swap3A_322 = vector.shape_cast %add3A_317 : vector<16xf32> to vector<1x16xf32>
        tpu.vector_store %arg8[%swap3A_318, %swap3A_319], %swap3A_322 {strides = array<i32>} : memref<128x256xf32, #tpu.memory_space<vmem>>, vector<1x16xf32>,
        %mul3A_323 = arith.constant 1.600000e+01 : f32
        %mul3A_324 = vector.broadcast %mul3A_323 : f32 to vector<16xf32>
        %mul3A_325 = arith.mulf %get3A_144, %mul3A_324 : vector<16xf32>
        %add3A_326 = arith.addf %mul3A_325, %get3A_208 : vector<16xf32>
        %swap3A_327 = arith.index_cast %scan3A_94 : i32 to index
        %swap3A_328 = arith.constant 176 : index
        %swap3A_329 = tpu.vector_load %arg8[%swap3A_327, %swap3A_328] {strides = array<i32>} : memref<128x256xf32, #tpu.memory_space<vmem>>, vector<1x16xf32>,
        %swap3A_330 = vector.shape_cast %swap3A_329 : vector<1x16xf32> to vector<16xf32>
        %swap3A_331 = vector.shape_cast %add3A_326 : vector<16xf32> to vector<1x16xf32>
        tpu.vector_store %arg8[%swap3A_327, %swap3A_328], %swap3A_331 {strides = array<i32>} : memref<128x256xf32, #tpu.memory_space<vmem>>, vector<1x16xf32>,
        %mul3A_332 = arith.constant 1.600000e+01 : f32
        %mul3A_333 = vector.broadcast %mul3A_332 : f32 to vector<16xf32>
        %mul3A_334 = arith.mulf %get3A_148, %mul3A_333 : vector<16xf32>
        %add3A_335 = arith.addf %mul3A_334, %get3A_212 : vector<16xf32>
        %swap3A_336 = arith.index_cast %scan3A_94 : i32 to index
        %swap3A_337 = arith.constant 192 : index
        %swap3A_338 = tpu.vector_load %arg8[%swap3A_336, %swap3A_337] {strides = array<i32>} : memref<128x256xf32, #tpu.memory_space<vmem>>, vector<1x16xf32>,
        %swap3A_339 = vector.shape_cast %swap3A_338 : vector<1x16xf32> to vector<16xf32>
        %swap3A_340 = vector.shape_cast %add3A_335 : vector<16xf32> to vector<1x16xf32>
        tpu.vector_store %arg8[%swap3A_336, %swap3A_337], %swap3A_340 {strides = array<i32>} : memref<128x256xf32, #tpu.memory_space<vmem>>, vector<1x16xf32>,
        %mul3A_341 = arith.constant 1.600000e+01 : f32
        %mul3A_342 = vector.broadcast %mul3A_341 : f32 to vector<16xf32>
        %mul3A_343 = arith.mulf %get3A_152, %mul3A_342 : vector<16xf32>
        %add3A_344 = arith.addf %mul3A_343, %get3A_216 : vector<16xf32>
        %swap3A_345 = arith.index_cast %scan3A_94 : i32 to index
        %swap3A_346 = arith.constant 208 : index
        %swap3A_347 = tpu.vector_load %arg8[%swap3A_345, %swap3A_346] {strides = array<i32>} : memref<128x256xf32, #tpu.memory_space<vmem>>, vector<1x16xf32>,
        %swap3A_348 = vector.shape_cast %swap3A_347 : vector<1x16xf32> to vector<16xf32>
        %swap3A_349 = vector.shape_cast %add3A_344 : vector<16xf32> to vector<1x16xf32>
        tpu.vector_store %arg8[%swap3A_345, %swap3A_346], %swap3A_349 {strides = array<i32>} : memref<128x256xf32, #tpu.memory_space<vmem>>, vector<1x16xf32>,
        %mul3A_350 = arith.constant 1.600000e+01 : f32
        %mul3A_351 = vector.broadcast %mul3A_350 : f32 to vector<16xf32>
        %mul3A_352 = arith.mulf %get3A_156, %mul3A_351 : vector<16xf32>
        %add3A_353 = arith.addf %mul3A_352, %get3A_220 : vector<16xf32>
        %swap3A_354 = arith.index_cast %scan3A_94 : i32 to index
        %swap3A_355 = arith.constant 224 : index
        %swap3A_356 = tpu.vector_load %arg8[%swap3A_354, %swap3A_355] {strides = array<i32>} : memref<128x256xf32, #tpu.memory_space<vmem>>, vector<1x16xf32>,
        %swap3A_357 = vector.shape_cast %swap3A_356 : vector<1x16xf32> to vector<16xf32>
        %swap3A_358 = vector.shape_cast %add3A_353 : vector<16xf32> to vector<1x16xf32>
        tpu.vector_store %arg8[%swap3A_354, %swap3A_355], %swap3A_358 {strides = array<i32>} : memref<128x256xf32, #tpu.memory_space<vmem>>, vector<1x16xf32>,
        %mul3A_359 = arith.constant 1.600000e+01 : f32
        %mul3A_360 = vector.broadcast %mul3A_359 : f32 to vector<16xf32>
        %mul3A_361 = arith.mulf %get3A_160, %mul3A_360 : vector<16xf32>
        %add3A_362 = arith.addf %mul3A_361, %get3A_224 : vector<16xf32>
        %swap3A_363 = arith.index_cast %scan3A_94 : i32 to index
        %swap3A_364 = arith.constant 240 : index
        %swap3A_365 = tpu.vector_load %arg8[%swap3A_363, %swap3A_364] {strides = array<i32>} : memref<128x256xf32, #tpu.memory_space<vmem>>, vector<1x16xf32>,
        %swap3A_366 = vector.shape_cast %swap3A_365 : vector<1x16xf32> to vector<16xf32>
        %swap3A_367 = vector.shape_cast %add3A_362 : vector<16xf32> to vector<1x16xf32>
        tpu.vector_store %arg8[%swap3A_363, %swap3A_364], %swap3A_367 {strides = array<i32>} : memref<128x256xf32, #tpu.memory_space<vmem>>, vector<1x16xf32>,
      }
      %scan3A_46 = arith.constant 128 : i32
      %mul3A_47 = arith.constant 128 : i32
      %mul3A_48 = arith.muli %mul3A_21, %mul3A_47 : i32
      %add3A_49 = arith.addi %mul3A_2, %mul3A_48 : i32
      %dma_start3A_50 = arith.constant 0 : i32
      %dma_start3A_51 = tpu.memref_slice %arg5[%add3A_49, %dma_start3A_50] : memref<204800x256xf32, #tpu.memory_space<hbm>> -> memref<128x256xf32, #tpu.memory_space<hbm>>
      %dma_start3A_52 = arith.constant 0 : i32
      %dma_start3A_53 = tpu.memref_slice %arg5[%add3A_49, %dma_start3A_52] : memref<204800x256xf32, #tpu.memory_space<hbm>> -> memref<128x256xf32, #tpu.memory_space<hbm>>
      tpu.enqueue_dma source(%arg8 : memref<128x256xf32, #tpu.memory_space<vmem>>) target(%dma_start3A_53 : memref<128x256xf32, #tpu.memory_space<hbm>>) target_semaphore(%arg12 : memref<!tpu.dma_semaphore, #tpu.memory_space<semaphore_mem>>)
      %add3A_54 = arith.constant 1 : i32
      %add3A_55 = arith.addi %mul3A_21, %add3A_54 : i32
      %dma_wait3A_56 = arith.constant 0 : i32
      %dma_wait3A_57 = tpu.memref_slice %arg6[%add3A_55, %dma_wait3A_56] : memref<50x128xi32, #tpu.memory_space<vmem>> -> memref<1x128xi32, #tpu.memory_space<vmem>>
      %dma_wait3A_58 = tpu.memref_squeeze %dma_wait3A_57 : memref<1x128xi32, #tpu.memory_space<vmem>> -> memref<128xi32, #tpu.memory_space<vmem>>
      %dma_wait3A_59 = arith.constant 0 : i32
      %dma_wait3A_60 = arith.constant 0 : i32
      %dma_wait3A_61 = tpu.memref_slice %arg3[%dma_wait3A_59, %dma_wait3A_60] : memref<100001x256xf32, #tpu.memory_space<hbm>> -> memref<100001x256xf32, #tpu.memory_space<hbm>>
      tpu.wait_indirect_dma semaphore(%arg11 : memref<!tpu.dma_semaphore, #tpu.memory_space<semaphore_mem>>) src(%dma_wait3A_61 : memref<100001x256xf32, #tpu.memory_space<hbm>>) dst(%arg9 : memref<128x256xf32, #tpu.memory_space<vmem>>)
      %mul3A_62 = arith.constant 128 : i32
      %mul3A_63 = arith.muli %mul3A_21, %mul3A_62 : i32
      %add3A_64 = arith.addi %mul3A_2, %mul3A_63 : i32
      %dma_wait3A_65 = arith.constant 0 : i32
      %dma_wait3A_66 = tpu.memref_slice %arg5[%add3A_64, %dma_wait3A_65] : memref<204800x256xf32, #tpu.memory_space<hbm>> -> memref<128x256xf32, #tpu.memory_space<hbm>>
      %dma_wait3A_67 = arith.constant 0 : i32
      %dma_wait3A_68 = tpu.memref_slice %arg5[%add3A_64, %dma_wait3A_67] : memref<204800x256xf32, #tpu.memory_space<hbm>> -> memref<128x256xf32, #tpu.memory_space<hbm>>
      tpu.wait_dma2 semaphore(%arg12 : memref<!tpu.dma_semaphore, #tpu.memory_space<semaphore_mem>>) src(%arg8 : memref<128x256xf32, #tpu.memory_space<vmem>>) dst(%dma_wait3A_68 : memref<128x256xf32, #tpu.memory_space<hbm>>)
      %lt3A = arith.constant 24 : i32
      %lt3A_69 = arith.cmpi slt, %scan3A_19, %lt3A : i32
      %convert_element_type3A_70 = arith.extui %lt3A_69 : i1 to i32
      %cond3A_71 = arith.constant 0 : i32
      %cond3A_72 = arith.cmpi ne, %convert_element_type3A_70, %cond3A_71 : i32
      scf.if %cond3A_72 {
        %add3A_94 = arith.constant 2 : i32
        %add3A_95 = arith.addi %mul3A_21, %add3A_94 : i32
        %dma_start3A_96 = arith.constant 0 : i32
        %dma_start3A_97 = tpu.memref_slice %arg6[%add3A_95, %dma_start3A_96] : memref<50x128xi32, #tpu.memory_space<vmem>> -> memref<1x128xi32, #tpu.memory_space<vmem>>
        %dma_start3A_98 = tpu.memref_squeeze %dma_start3A_97 : memref<1x128xi32, #tpu.memory_space<vmem>> -> memref<128xi32, #tpu.memory_space<vmem>>
        %dma_start3A_99 = arith.constant 0 : i32
        %dma_start3A_100 = arith.constant 0 : i32
        %dma_start3A_101 = tpu.memref_slice %arg3[%dma_start3A_99, %dma_start3A_100] : memref<100001x256xf32, #tpu.memory_space<hbm>> -> memref<100001x256xf32, #tpu.memory_space<hbm>>
        tpu.enqueue_indirect_dma source(%dma_start3A_101 : memref<100001x256xf32, #tpu.memory_space<hbm>>) target(%arg8 : memref<128x256xf32, #tpu.memory_space<vmem>>) offsets(%dma_start3A_98 : memref<128xi32, #tpu.memory_space<vmem>>) semaphore(%arg10 : memref<!tpu.dma_semaphore, #tpu.memory_space<semaphore_mem>>)
      } else {
      }
      %add3A_73 = arith.constant 1 : i32
      %add3A_74 = arith.addi %mul3A_21, %add3A_73 : i32
      %mul3A_75 = arith.constant 128 : i32
      %mul3A_76 = arith.muli %add3A_74, %mul3A_75 : i32
      %rem3A_77 = arith.constant 200 : i32
      %rem3A_78 = arith.remsi %mul3A_76, %rem3A_77 : i32
      %scan3A_79 = arith.constant 0 : i32
      %scan3A_80 = arith.constant 0 : i32
      %scan3A_81 = arith.constant 128 : i32
      %scan3A_82 = arith.addi %scan3A_80, %scan3A_81 : i32
      %scan3A_83 = arith.constant 1 : i32
      scf.for %scan3A_94 = %scan3A_80 to %scan3A_82 step %scan3A_83  : i32 {
        %add3A_95 = arith.addi %rem3A_78, %scan3A_94 : i32
        %ge3A = arith.constant 200 : i32
        %ge3A_96 = arith.cmpi sge, %add3A_95, %ge3A : i32
        %sub3A = arith.constant 200 : i32
        %sub3A_97 = arith.subi %add3A_95, %sub3A : i32
        %select_n3A = arith.select %ge3A_96, %sub3A_97, %add3A_95 : i32
        %get3A = arith.index_cast %scan3A_94 : i32 to index
        %get3A_98 = arith.constant 0 : index
        %get3A_99 = tpu.vector_load %arg9[%get3A, %get3A_98] {strides = array<i32>} : memref<128x256xf32, #tpu.memory_space<vmem>>, vector<1x16xf32>,
        %get3A_100 = vector.shape_cast %get3A_99 : vector<1x16xf32> to vector<16xf32>
        %get3A_101 = arith.index_cast %scan3A_94 : i32 to index
        %get3A_102 = arith.constant 16 : index
        %get3A_103 = tpu.vector_load %arg9[%get3A_101, %get3A_102] {strides = array<i32>} : memref<128x256xf32, #tpu.memory_space<vmem>>, vector<1x16xf32>,
        %get3A_104 = vector.shape_cast %get3A_103 : vector<1x16xf32> to vector<16xf32>
        %get3A_105 = arith.index_cast %scan3A_94 : i32 to index
        %get3A_106 = arith.constant 32 : index
        %get3A_107 = tpu.vector_load %arg9[%get3A_105, %get3A_106] {strides = array<i32>} : memref<128x256xf32, #tpu.memory_space<vmem>>, vector<1x16xf32>,
        %get3A_108 = vector.shape_cast %get3A_107 : vector<1x16xf32> to vector<16xf32>
        %get3A_109 = arith.index_cast %scan3A_94 : i32 to index
        %get3A_110 = arith.constant 48 : index
        %get3A_111 = tpu.vector_load %arg9[%get3A_109, %get3A_110] {strides = array<i32>} : memref<128x256xf32, #tpu.memory_space<vmem>>, vector<1x16xf32>,
        %get3A_112 = vector.shape_cast %get3A_111 : vector<1x16xf32> to vector<16xf32>
        %get3A_113 = arith.index_cast %scan3A_94 : i32 to index
        %get3A_114 = arith.constant 64 : index
        %get3A_115 = tpu.vector_load %arg9[%get3A_113, %get3A_114] {strides = array<i32>} : memref<128x256xf32, #tpu.memory_space<vmem>>, vector<1x16xf32>,
        %get3A_116 = vector.shape_cast %get3A_115 : vector<1x16xf32> to vector<16xf32>
        %get3A_117 = arith.index_cast %scan3A_94 : i32 to index
        %get3A_118 = arith.constant 80 : index
        %get3A_119 = tpu.vector_load %arg9[%get3A_117, %get3A_118] {strides = array<i32>} : memref<128x256xf32, #tpu.memory_space<vmem>>, vector<1x16xf32>,
        %get3A_120 = vector.shape_cast %get3A_119 : vector<1x16xf32> to vector<16xf32>
        %get3A_121 = arith.index_cast %scan3A_94 : i32 to index
        %get3A_122 = arith.constant 96 : index
        %get3A_123 = tpu.vector_load %arg9[%get3A_121, %get3A_122] {strides = array<i32>} : memref<128x256xf32, #tpu.memory_space<vmem>>, vector<1x16xf32>,
        %get3A_124 = vector.shape_cast %get3A_123 : vector<1x16xf32> to vector<16xf32>
        %get3A_125 = arith.index_cast %scan3A_94 : i32 to index
        %get3A_126 = arith.constant 112 : index
        %get3A_127 = tpu.vector_load %arg9[%get3A_125, %get3A_126] {strides = array<i32>} : memref<128x256xf32, #tpu.memory_space<vmem>>, vector<1x16xf32>,
        %get3A_128 = vector.shape_cast %get3A_127 : vector<1x16xf32> to vector<16xf32>
        %get3A_129 = arith.index_cast %scan3A_94 : i32 to index
        %get3A_130 = arith.constant 128 : index
        %get3A_131 = tpu.vector_load %arg9[%get3A_129, %get3A_130] {strides = array<i32>} : memref<128x256xf32, #tpu.memory_space<vmem>>, vector<1x16xf32>,
        %get3A_132 = vector.shape_cast %get3A_131 : vector<1x16xf32> to vector<16xf32>
        %get3A_133 = arith.index_cast %scan3A_94 : i32 to index
        %get3A_134 = arith.constant 144 : index
        %get3A_135 = tpu.vector_load %arg9[%get3A_133, %get3A_134] {strides = array<i32>} : memref<128x256xf32, #tpu.memory_space<vmem>>, vector<1x16xf32>,
        %get3A_136 = vector.shape_cast %get3A_135 : vector<1x16xf32> to vector<16xf32>
        %get3A_137 = arith.index_cast %scan3A_94 : i32 to index
        %get3A_138 = arith.constant 160 : index
        %get3A_139 = tpu.vector_load %arg9[%get3A_137, %get3A_138] {strides = array<i32>} : memref<128x256xf32, #tpu.memory_space<vmem>>, vector<1x16xf32>,
        %get3A_140 = vector.shape_cast %get3A_139 : vector<1x16xf32> to vector<16xf32>
        %get3A_141 = arith.index_cast %scan3A_94 : i32 to index
        %get3A_142 = arith.constant 176 : index
        %get3A_143 = tpu.vector_load %arg9[%get3A_141, %get3A_142] {strides = array<i32>} : memref<128x256xf32, #tpu.memory_space<vmem>>, vector<1x16xf32>,
        %get3A_144 = vector.shape_cast %get3A_143 : vector<1x16xf32> to vector<16xf32>
        %get3A_145 = arith.index_cast %scan3A_94 : i32 to index
        %get3A_146 = arith.constant 192 : index
        %get3A_147 = tpu.vector_load %arg9[%get3A_145, %get3A_146] {strides = array<i32>} : memref<128x256xf32, #tpu.memory_space<vmem>>, vector<1x16xf32>,
        %get3A_148 = vector.shape_cast %get3A_147 : vector<1x16xf32> to vector<16xf32>
        %get3A_149 = arith.index_cast %scan3A_94 : i32 to index
        %get3A_150 = arith.constant 208 : index
        %get3A_151 = tpu.vector_load %arg9[%get3A_149, %get3A_150] {strides = array<i32>} : memref<128x256xf32, #tpu.memory_space<vmem>>, vector<1x16xf32>,
        %get3A_152 = vector.shape_cast %get3A_151 : vector<1x16xf32> to vector<16xf32>
        %get3A_153 = arith.index_cast %scan3A_94 : i32 to index
        %get3A_154 = arith.constant 224 : index
        %get3A_155 = tpu.vector_load %arg9[%get3A_153, %get3A_154] {strides = array<i32>} : memref<128x256xf32, #tpu.memory_space<vmem>>, vector<1x16xf32>,
        %get3A_156 = vector.shape_cast %get3A_155 : vector<1x16xf32> to vector<16xf32>
        %get3A_157 = arith.index_cast %scan3A_94 : i32 to index
        %get3A_158 = arith.constant 240 : index
        %get3A_159 = tpu.vector_load %arg9[%get3A_157, %get3A_158] {strides = array<i32>} : memref<128x256xf32, #tpu.memory_space<vmem>>, vector<1x16xf32>,
        %get3A_160 = vector.shape_cast %get3A_159 : vector<1x16xf32> to vector<16xf32>
        %get3A_161 = arith.index_cast %select_n3A : i32 to index
        %get3A_162 = arith.constant 0 : index
        %get3A_163 = tpu.vector_load %arg7[%get3A_161, %get3A_162] {strides = array<i32>} : memref<200x256xf32, #tpu.memory_space<vmem>>, vector<1x16xf32>,
        %get3A_164 = vector.shape_cast %get3A_163 : vector<1x16xf32> to vector<16xf32>
        %get3A_165 = arith.index_cast %select_n3A : i32 to index
        %get3A_166 = arith.constant 16 : index
        %get3A_167 = tpu.vector_load %arg7[%get3A_165, %get3A_166] {strides = array<i32>} : memref<200x256xf32, #tpu.memory_space<vmem>>, vector<1x16xf32>,
        %get3A_168 = vector.shape_cast %get3A_167 : vector<1x16xf32> to vector<16xf32>
        %get3A_169 = arith.index_cast %select_n3A : i32 to index
        %get3A_170 = arith.constant 32 : index
        %get3A_171 = tpu.vector_load %arg7[%get3A_169, %get3A_170] {strides = array<i32>} : memref<200x256xf32, #tpu.memory_space<vmem>>, vector<1x16xf32>,
        %get3A_172 = vector.shape_cast %get3A_171 : vector<1x16xf32> to vector<16xf32>
        %get3A_173 = arith.index_cast %select_n3A : i32 to index
        %get3A_174 = arith.constant 48 : index
        %get3A_175 = tpu.vector_load %arg7[%get3A_173, %get3A_174] {strides = array<i32>} : memref<200x256xf32, #tpu.memory_space<vmem>>, vector<1x16xf32>,
        %get3A_176 = vector.shape_cast %get3A_175 : vector<1x16xf32> to vector<16xf32>
        %get3A_177 = arith.index_cast %select_n3A : i32 to index
        %get3A_178 = arith.constant 64 : index
        %get3A_179 = tpu.vector_load %arg7[%get3A_177, %get3A_178] {strides = array<i32>} : memref<200x256xf32, #tpu.memory_space<vmem>>, vector<1x16xf32>,
        %get3A_180 = vector.shape_cast %get3A_179 : vector<1x16xf32> to vector<16xf32>
        %get3A_181 = arith.index_cast %select_n3A : i32 to index
        %get3A_182 = arith.constant 80 : index
        %get3A_183 = tpu.vector_load %arg7[%get3A_181, %get3A_182] {strides = array<i32>} : memref<200x256xf32, #tpu.memory_space<vmem>>, vector<1x16xf32>,
        %get3A_184 = vector.shape_cast %get3A_183 : vector<1x16xf32> to vector<16xf32>
        %get3A_185 = arith.index_cast %select_n3A : i32 to index
        %get3A_186 = arith.constant 96 : index
        %get3A_187 = tpu.vector_load %arg7[%get3A_185, %get3A_186] {strides = array<i32>} : memref<200x256xf32, #tpu.memory_space<vmem>>, vector<1x16xf32>,
        %get3A_188 = vector.shape_cast %get3A_187 : vector<1x16xf32> to vector<16xf32>
        %get3A_189 = arith.index_cast %select_n3A : i32 to index
        %get3A_190 = arith.constant 112 : index
        %get3A_191 = tpu.vector_load %arg7[%get3A_189, %get3A_190] {strides = array<i32>} : memref<200x256xf32, #tpu.memory_space<vmem>>, vector<1x16xf32>,
        %get3A_192 = vector.shape_cast %get3A_191 : vector<1x16xf32> to vector<16xf32>
        %get3A_193 = arith.index_cast %select_n3A : i32 to index
        %get3A_194 = arith.constant 128 : index
        %get3A_195 = tpu.vector_load %arg7[%get3A_193, %get3A_194] {strides = array<i32>} : memref<200x256xf32, #tpu.memory_space<vmem>>, vector<1x16xf32>,
        %get3A_196 = vector.shape_cast %get3A_195 : vector<1x16xf32> to vector<16xf32>
        %get3A_197 = arith.index_cast %select_n3A : i32 to index
        %get3A_198 = arith.constant 144 : index
        %get3A_199 = tpu.vector_load %arg7[%get3A_197, %get3A_198] {strides = array<i32>} : memref<200x256xf32, #tpu.memory_space<vmem>>, vector<1x16xf32>,
        %get3A_200 = vector.shape_cast %get3A_199 : vector<1x16xf32> to vector<16xf32>
        %get3A_201 = arith.index_cast %select_n3A : i32 to index
        %get3A_202 = arith.constant 160 : index
        %get3A_203 = tpu.vector_load %arg7[%get3A_201, %get3A_202] {strides = array<i32>} : memref<200x256xf32, #tpu.memory_space<vmem>>, vector<1x16xf32>,
        %get3A_204 = vector.shape_cast %get3A_203 : vector<1x16xf32> to vector<16xf32>
        %get3A_205 = arith.index_cast %select_n3A : i32 to index
        %get3A_206 = arith.constant 176 : index
        %get3A_207 = tpu.vector_load %arg7[%get3A_205, %get3A_206] {strides = array<i32>} : memref<200x256xf32, #tpu.memory_space<vmem>>, vector<1x16xf32>,
        %get3A_208 = vector.shape_cast %get3A_207 : vector<1x16xf32> to vector<16xf32>
        %get3A_209 = arith.index_cast %select_n3A : i32 to index
        %get3A_210 = arith.constant 192 : index
        %get3A_211 = tpu.vector_load %arg7[%get3A_209, %get3A_210] {strides = array<i32>} : memref<200x256xf32, #tpu.memory_space<vmem>>, vector<1x16xf32>,
        %get3A_212 = vector.shape_cast %get3A_211 : vector<1x16xf32> to vector<16xf32>
        %get3A_213 = arith.index_cast %select_n3A : i32 to index
        %get3A_214 = arith.constant 208 : index
        %get3A_215 = tpu.vector_load %arg7[%get3A_213, %get3A_214] {strides = array<i32>} : memref<200x256xf32, #tpu.memory_space<vmem>>, vector<1x16xf32>,
        %get3A_216 = vector.shape_cast %get3A_215 : vector<1x16xf32> to vector<16xf32>
        %get3A_217 = arith.index_cast %select_n3A : i32 to index
        %get3A_218 = arith.constant 224 : index
        %get3A_219 = tpu.vector_load %arg7[%get3A_217, %get3A_218] {strides = array<i32>} : memref<200x256xf32, #tpu.memory_space<vmem>>, vector<1x16xf32>,
        %get3A_220 = vector.shape_cast %get3A_219 : vector<1x16xf32> to vector<16xf32>
        %get3A_221 = arith.index_cast %select_n3A : i32 to index
        %get3A_222 = arith.constant 240 : index
        %get3A_223 = tpu.vector_load %arg7[%get3A_221, %get3A_222] {strides = array<i32>} : memref<200x256xf32, #tpu.memory_space<vmem>>, vector<1x16xf32>,
        %get3A_224 = vector.shape_cast %get3A_223 : vector<1x16xf32> to vector<16xf32>
        %mul3A_225 = arith.constant 1.600000e+01 : f32
        %mul3A_226 = vector.broadcast %mul3A_225 : f32 to vector<16xf32>
        %mul3A_227 = arith.mulf %get3A_100, %mul3A_226 : vector<16xf32>
        %add3A_228 = arith.addf %mul3A_227, %get3A_164 : vector<16xf32>
        %swap3A = arith.index_cast %scan3A_94 : i32 to index
        %swap3A_229 = arith.constant 0 : index
        %swap3A_230 = tpu.vector_load %arg9[%swap3A, %swap3A_229] {strides = array<i32>} : memref<128x256xf32, #tpu.memory_space<vmem>>, vector<1x16xf32>,
        %swap3A_231 = vector.shape_cast %swap3A_230 : vector<1x16xf32> to vector<16xf32>
        %swap3A_232 = vector.shape_cast %add3A_228 : vector<16xf32> to vector<1x16xf32>
        tpu.vector_store %arg9[%swap3A, %swap3A_229], %swap3A_232 {strides = array<i32>} : memref<128x256xf32, #tpu.memory_space<vmem>>, vector<1x16xf32>,
        %mul3A_233 = arith.constant 1.600000e+01 : f32
        %mul3A_234 = vector.broadcast %mul3A_233 : f32 to vector<16xf32>
        %mul3A_235 = arith.mulf %get3A_104, %mul3A_234 : vector<16xf32>
        %add3A_236 = arith.addf %mul3A_235, %get3A_168 : vector<16xf32>
        %swap3A_237 = arith.index_cast %scan3A_94 : i32 to index
        %swap3A_238 = arith.constant 16 : index
        %swap3A_239 = tpu.vector_load %arg9[%swap3A_237, %swap3A_238] {strides = array<i32>} : memref<128x256xf32, #tpu.memory_space<vmem>>, vector<1x16xf32>,
        %swap3A_240 = vector.shape_cast %swap3A_239 : vector<1x16xf32> to vector<16xf32>
        %swap3A_241 = vector.shape_cast %add3A_236 : vector<16xf32> to vector<1x16xf32>
        tpu.vector_store %arg9[%swap3A_237, %swap3A_238], %swap3A_241 {strides = array<i32>} : memref<128x256xf32, #tpu.memory_space<vmem>>, vector<1x16xf32>,
        %mul3A_242 = arith.constant 1.600000e+01 : f32
        %mul3A_243 = vector.broadcast %mul3A_242 : f32 to vector<16xf32>
        %mul3A_244 = arith.mulf %get3A_108, %mul3A_243 : vector<16xf32>
        %add3A_245 = arith.addf %mul3A_244, %get3A_172 : vector<16xf32>
        %swap3A_246 = arith.index_cast %scan3A_94 : i32 to index
        %swap3A_247 = arith.constant 32 : index
        %swap3A_248 = tpu.vector_load %arg9[%swap3A_246, %swap3A_247] {strides = array<i32>} : memref<128x256xf32, #tpu.memory_space<vmem>>, vector<1x16xf32>,
        %swap3A_249 = vector.shape_cast %swap3A_248 : vector<1x16xf32> to vector<16xf32>
        %swap3A_250 = vector.shape_cast %add3A_245 : vector<16xf32> to vector<1x16xf32>
        tpu.vector_store %arg9[%swap3A_246, %swap3A_247], %swap3A_250 {strides = array<i32>} : memref<128x256xf32, #tpu.memory_space<vmem>>, vector<1x16xf32>,
        %mul3A_251 = arith.constant 1.600000e+01 : f32
        %mul3A_252 = vector.broadcast %mul3A_251 : f32 to vector<16xf32>
        %mul3A_253 = arith.mulf %get3A_112, %mul3A_252 : vector<16xf32>
        %add3A_254 = arith.addf %mul3A_253, %get3A_176 : vector<16xf32>
        %swap3A_255 = arith.index_cast %scan3A_94 : i32 to index
        %swap3A_256 = arith.constant 48 : index
        %swap3A_257 = tpu.vector_load %arg9[%swap3A_255, %swap3A_256] {strides = array<i32>} : memref<128x256xf32, #tpu.memory_space<vmem>>, vector<1x16xf32>,
        %swap3A_258 = vector.shape_cast %swap3A_257 : vector<1x16xf32> to vector<16xf32>
        %swap3A_259 = vector.shape_cast %add3A_254 : vector<16xf32> to vector<1x16xf32>
        tpu.vector_store %arg9[%swap3A_255, %swap3A_256], %swap3A_259 {strides = array<i32>} : memref<128x256xf32, #tpu.memory_space<vmem>>, vector<1x16xf32>,
        %mul3A_260 = arith.constant 1.600000e+01 : f32
        %mul3A_261 = vector.broadcast %mul3A_260 : f32 to vector<16xf32>
        %mul3A_262 = arith.mulf %get3A_116, %mul3A_261 : vector<16xf32>
        %add3A_263 = arith.addf %mul3A_262, %get3A_180 : vector<16xf32>
        %swap3A_264 = arith.index_cast %scan3A_94 : i32 to index
        %swap3A_265 = arith.constant 64 : index
        %swap3A_266 = tpu.vector_load %arg9[%swap3A_264, %swap3A_265] {strides = array<i32>} : memref<128x256xf32, #tpu.memory_space<vmem>>, vector<1x16xf32>,
        %swap3A_267 = vector.shape_cast %swap3A_266 : vector<1x16xf32> to vector<16xf32>
        %swap3A_268 = vector.shape_cast %add3A_263 : vector<16xf32> to vector<1x16xf32>
        tpu.vector_store %arg9[%swap3A_264, %swap3A_265], %swap3A_268 {strides = array<i32>} : memref<128x256xf32, #tpu.memory_space<vmem>>, vector<1x16xf32>,
        %mul3A_269 = arith.constant 1.600000e+01 : f32
        %mul3A_270 = vector.broadcast %mul3A_269 : f32 to vector<16xf32>
        %mul3A_271 = arith.mulf %get3A_120, %mul3A_270 : vector<16xf32>
        %add3A_272 = arith.addf %mul3A_271, %get3A_184 : vector<16xf32>
        %swap3A_273 = arith.index_cast %scan3A_94 : i32 to index
        %swap3A_274 = arith.constant 80 : index
        %swap3A_275 = tpu.vector_load %arg9[%swap3A_273, %swap3A_274] {strides = array<i32>} : memref<128x256xf32, #tpu.memory_space<vmem>>, vector<1x16xf32>,
        %swap3A_276 = vector.shape_cast %swap3A_275 : vector<1x16xf32> to vector<16xf32>
        %swap3A_277 = vector.shape_cast %add3A_272 : vector<16xf32> to vector<1x16xf32>
        tpu.vector_store %arg9[%swap3A_273, %swap3A_274], %swap3A_277 {strides = array<i32>} : memref<128x256xf32, #tpu.memory_space<vmem>>, vector<1x16xf32>,
        %mul3A_278 = arith.constant 1.600000e+01 : f32
        %mul3A_279 = vector.broadcast %mul3A_278 : f32 to vector<16xf32>
        %mul3A_280 = arith.mulf %get3A_124, %mul3A_279 : vector<16xf32>
        %add3A_281 = arith.addf %mul3A_280, %get3A_188 : vector<16xf32>
        %swap3A_282 = arith.index_cast %scan3A_94 : i32 to index
        %swap3A_283 = arith.constant 96 : index
        %swap3A_284 = tpu.vector_load %arg9[%swap3A_282, %swap3A_283] {strides = array<i32>} : memref<128x256xf32, #tpu.memory_space<vmem>>, vector<1x16xf32>,
        %swap3A_285 = vector.shape_cast %swap3A_284 : vector<1x16xf32> to vector<16xf32>
        %swap3A_286 = vector.shape_cast %add3A_281 : vector<16xf32> to vector<1x16xf32>
        tpu.vector_store %arg9[%swap3A_282, %swap3A_283], %swap3A_286 {strides = array<i32>} : memref<128x256xf32, #tpu.memory_space<vmem>>, vector<1x16xf32>,
        %mul3A_287 = arith.constant 1.600000e+01 : f32
        %mul3A_288 = vector.broadcast %mul3A_287 : f32 to vector<16xf32>
        %mul3A_289 = arith.mulf %get3A_128, %mul3A_288 : vector<16xf32>
        %add3A_290 = arith.addf %mul3A_289, %get3A_192 : vector<16xf32>
        %swap3A_291 = arith.index_cast %scan3A_94 : i32 to index
        %swap3A_292 = arith.constant 112 : index
        %swap3A_293 = tpu.vector_load %arg9[%swap3A_291, %swap3A_292] {strides = array<i32>} : memref<128x256xf32, #tpu.memory_space<vmem>>, vector<1x16xf32>,
        %swap3A_294 = vector.shape_cast %swap3A_293 : vector<1x16xf32> to vector<16xf32>
        %swap3A_295 = vector.shape_cast %add3A_290 : vector<16xf32> to vector<1x16xf32>
        tpu.vector_store %arg9[%swap3A_291, %swap3A_292], %swap3A_295 {strides = array<i32>} : memref<128x256xf32, #tpu.memory_space<vmem>>, vector<1x16xf32>,
        %mul3A_296 = arith.constant 1.600000e+01 : f32
        %mul3A_297 = vector.broadcast %mul3A_296 : f32 to vector<16xf32>
        %mul3A_298 = arith.mulf %get3A_132, %mul3A_297 : vector<16xf32>
        %add3A_299 = arith.addf %mul3A_298, %get3A_196 : vector<16xf32>
        %swap3A_300 = arith.index_cast %scan3A_94 : i32 to index
        %swap3A_301 = arith.constant 128 : index
        %swap3A_302 = tpu.vector_load %arg9[%swap3A_300, %swap3A_301] {strides = array<i32>} : memref<128x256xf32, #tpu.memory_space<vmem>>, vector<1x16xf32>,
        %swap3A_303 = vector.shape_cast %swap3A_302 : vector<1x16xf32> to vector<16xf32>
        %swap3A_304 = vector.shape_cast %add3A_299 : vector<16xf32> to vector<1x16xf32>
        tpu.vector_store %arg9[%swap3A_300, %swap3A_301], %swap3A_304 {strides = array<i32>} : memref<128x256xf32, #tpu.memory_space<vmem>>, vector<1x16xf32>,
        %mul3A_305 = arith.constant 1.600000e+01 : f32
        %mul3A_306 = vector.broadcast %mul3A_305 : f32 to vector<16xf32>
        %mul3A_307 = arith.mulf %get3A_136, %mul3A_306 : vector<16xf32>
        %add3A_308 = arith.addf %mul3A_307, %get3A_200 : vector<16xf32>
        %swap3A_309 = arith.index_cast %scan3A_94 : i32 to index
        %swap3A_310 = arith.constant 144 : index
        %swap3A_311 = tpu.vector_load %arg9[%swap3A_309, %swap3A_310] {strides = array<i32>} : memref<128x256xf32, #tpu.memory_space<vmem>>, vector<1x16xf32>,
        %swap3A_312 = vector.shape_cast %swap3A_311 : vector<1x16xf32> to vector<16xf32>
        %swap3A_313 = vector.shape_cast %add3A_308 : vector<16xf32> to vector<1x16xf32>
        tpu.vector_store %arg9[%swap3A_309, %swap3A_310], %swap3A_313 {strides = array<i32>} : memref<128x256xf32, #tpu.memory_space<vmem>>, vector<1x16xf32>,
        %mul3A_314 = arith.constant 1.600000e+01 : f32
        %mul3A_315 = vector.broadcast %mul3A_314 : f32 to vector<16xf32>
        %mul3A_316 = arith.mulf %get3A_140, %mul3A_315 : vector<16xf32>
        %add3A_317 = arith.addf %mul3A_316, %get3A_204 : vector<16xf32>
        %swap3A_318 = arith.index_cast %scan3A_94 : i32 to index
        %swap3A_319 = arith.constant 160 : index
        %swap3A_320 = tpu.vector_load %arg9[%swap3A_318, %swap3A_319] {strides = array<i32>} : memref<128x256xf32, #tpu.memory_space<vmem>>, vector<1x16xf32>,
        %swap3A_321 = vector.shape_cast %swap3A_320 : vector<1x16xf32> to vector<16xf32>
        %swap3A_322 = vector.shape_cast %add3A_317 : vector<16xf32> to vector<1x16xf32>
        tpu.vector_store %arg9[%swap3A_318, %swap3A_319], %swap3A_322 {strides = array<i32>} : memref<128x256xf32, #tpu.memory_space<vmem>>, vector<1x16xf32>,
        %mul3A_323 = arith.constant 1.600000e+01 : f32
        %mul3A_324 = vector.broadcast %mul3A_323 : f32 to vector<16xf32>
        %mul3A_325 = arith.mulf %get3A_144, %mul3A_324 : vector<16xf32>
        %add3A_326 = arith.addf %mul3A_325, %get3A_208 : vector<16xf32>
        %swap3A_327 = arith.index_cast %scan3A_94 : i32 to index
        %swap3A_328 = arith.constant 176 : index
        %swap3A_329 = tpu.vector_load %arg9[%swap3A_327, %swap3A_328] {strides = array<i32>} : memref<128x256xf32, #tpu.memory_space<vmem>>, vector<1x16xf32>,
        %swap3A_330 = vector.shape_cast %swap3A_329 : vector<1x16xf32> to vector<16xf32>
        %swap3A_331 = vector.shape_cast %add3A_326 : vector<16xf32> to vector<1x16xf32>
        tpu.vector_store %arg9[%swap3A_327, %swap3A_328], %swap3A_331 {strides = array<i32>} : memref<128x256xf32, #tpu.memory_space<vmem>>, vector<1x16xf32>,
        %mul3A_332 = arith.constant 1.600000e+01 : f32
        %mul3A_333 = vector.broadcast %mul3A_332 : f32 to vector<16xf32>
        %mul3A_334 = arith.mulf %get3A_148, %mul3A_333 : vector<16xf32>
        %add3A_335 = arith.addf %mul3A_334, %get3A_212 : vector<16xf32>
        %swap3A_336 = arith.index_cast %scan3A_94 : i32 to index
        %swap3A_337 = arith.constant 192 : index
        %swap3A_338 = tpu.vector_load %arg9[%swap3A_336, %swap3A_337] {strides = array<i32>} : memref<128x256xf32, #tpu.memory_space<vmem>>, vector<1x16xf32>,
        %swap3A_339 = vector.shape_cast %swap3A_338 : vector<1x16xf32> to vector<16xf32>
        %swap3A_340 = vector.shape_cast %add3A_335 : vector<16xf32> to vector<1x16xf32>
        tpu.vector_store %arg9[%swap3A_336, %swap3A_337], %swap3A_340 {strides = array<i32>} : memref<128x256xf32, #tpu.memory_space<vmem>>, vector<1x16xf32>,
        %mul3A_341 = arith.constant 1.600000e+01 : f32
        %mul3A_342 = vector.broadcast %mul3A_341 : f32 to vector<16xf32>
        %mul3A_343 = arith.mulf %get3A_152, %mul3A_342 : vector<16xf32>
        %add3A_344 = arith.addf %mul3A_343, %get3A_216 : vector<16xf32>
        %swap3A_345 = arith.index_cast %scan3A_94 : i32 to index
        %swap3A_346 = arith.constant 208 : index
        %swap3A_347 = tpu.vector_load %arg9[%swap3A_345, %swap3A_346] {strides = array<i32>} : memref<128x256xf32, #tpu.memory_space<vmem>>, vector<1x16xf32>,
        %swap3A_348 = vector.shape_cast %swap3A_347 : vector<1x16xf32> to vector<16xf32>
        %swap3A_349 = vector.shape_cast %add3A_344 : vector<16xf32> to vector<1x16xf32>
        tpu.vector_store %arg9[%swap3A_345, %swap3A_346], %swap3A_349 {strides = array<i32>} : memref<128x256xf32, #tpu.memory_space<vmem>>, vector<1x16xf32>,
        %mul3A_350 = arith.constant 1.600000e+01 : f32
        %mul3A_351 = vector.broadcast %mul3A_350 : f32 to vector<16xf32>
        %mul3A_352 = arith.mulf %get3A_156, %mul3A_351 : vector<16xf32>
        %add3A_353 = arith.addf %mul3A_352, %get3A_220 : vector<16xf32>
        %swap3A_354 = arith.index_cast %scan3A_94 : i32 to index
        %swap3A_355 = arith.constant 224 : index
        %swap3A_356 = tpu.vector_load %arg9[%swap3A_354, %swap3A_355] {strides = array<i32>} : memref<128x256xf32, #tpu.memory_space<vmem>>, vector<1x16xf32>,
        %swap3A_357 = vector.shape_cast %swap3A_356 : vector<1x16xf32> to vector<16xf32>
        %swap3A_358 = vector.shape_cast %add3A_353 : vector<16xf32> to vector<1x16xf32>
        tpu.vector_store %arg9[%swap3A_354, %swap3A_355], %swap3A_358 {strides = array<i32>} : memref<128x256xf32, #tpu.memory_space<vmem>>, vector<1x16xf32>,
        %mul3A_359 = arith.constant 1.600000e+01 : f32
        %mul3A_360 = vector.broadcast %mul3A_359 : f32 to vector<16xf32>
        %mul3A_361 = arith.mulf %get3A_160, %mul3A_360 : vector<16xf32>
        %add3A_362 = arith.addf %mul3A_361, %get3A_224 : vector<16xf32>
        %swap3A_363 = arith.index_cast %scan3A_94 : i32 to index
        %swap3A_364 = arith.constant 240 : index
        %swap3A_365 = tpu.vector_load %arg9[%swap3A_363, %swap3A_364] {strides = array<i32>} : memref<128x256xf32, #tpu.memory_space<vmem>>, vector<1x16xf32>,
        %swap3A_366 = vector.shape_cast %swap3A_365 : vector<1x16xf32> to vector<16xf32>
        %swap3A_367 = vector.shape_cast %add3A_362 : vector<16xf32> to vector<1x16xf32>
        tpu.vector_store %arg9[%swap3A_363, %swap3A_364], %swap3A_367 {strides = array<i32>} : memref<128x256xf32, #tpu.memory_space<vmem>>, vector<1x16xf32>,
      }
      %scan3A_84 = arith.constant 128 : i32
      %add3A_85 = arith.constant 1 : i32
      %add3A_86 = arith.addi %mul3A_21, %add3A_85 : i32
      %mul3A_87 = arith.constant 128 : i32
      %mul3A_88 = arith.muli %add3A_86, %mul3A_87 : i32
      %add3A_89 = arith.addi %mul3A_2, %mul3A_88 : i32
      %dma_start3A_90 = arith.constant 0 : i32
      %dma_start3A_91 = tpu.memref_slice %arg5[%add3A_89, %dma_start3A_90] : memref<204800x256xf32, #tpu.memory_space<hbm>> -> memref<128x256xf32, #tpu.memory_space<hbm>>
      %dma_start3A_92 = arith.constant 0 : i32
      %dma_start3A_93 = tpu.memref_slice %arg5[%add3A_89, %dma_start3A_92] : memref<204800x256xf32, #tpu.memory_space<hbm>> -> memref<128x256xf32, #tpu.memory_space<hbm>>
      tpu.enqueue_dma source(%arg9 : memref<128x256xf32, #tpu.memory_space<vmem>>) target(%dma_start3A_93 : memref<128x256xf32, #tpu.memory_space<hbm>>) target_semaphore(%arg13 : memref<!tpu.dma_semaphore, #tpu.memory_space<semaphore_mem>>)
    }
    %scan3A_13 = arith.constant 25 : i32
    %add3A_14 = arith.constant 6272 : i32
    %add3A_15 = arith.addi %mul3A_2, %add3A_14 : i32
    %dma_wait3A = arith.constant 0 : i32
    %dma_wait3A_16 = tpu.memref_slice %arg5[%add3A_15, %dma_wait3A] : memref<204800x256xf32, #tpu.memory_space<hbm>> -> memref<128x256xf32, #tpu.memory_space<hbm>>
    %dma_wait3A_17 = arith.constant 0 : i32
    %dma_wait3A_18 = tpu.memref_slice %arg5[%add3A_15, %dma_wait3A_17] : memref<204800x256xf32, #tpu.memory_space<hbm>> -> memref<128x256xf32, #tpu.memory_space<hbm>>
    tpu.wait_dma2 semaphore(%arg13 : memref<!tpu.dma_semaphore, #tpu.memory_space<semaphore_mem>>) src(%arg9 : memref<128x256xf32, #tpu.memory_space<vmem>>) dst(%dma_wait3A_18 : memref<128x256xf32, #tpu.memory_space<hbm>>)
    return
  }
}

</mosaic_0001>

<sc_bundles>
// kernel: _sc_embed.3.cloned.1.call-start
scs
__scs_entry_jumppad:
0x0: {  	(pc) =	sbr.rel $0x88, $3  }
0x1: {  	(tag) =	ssettag $0x0;
	lr =	simm.s32 $0x1  }
0x2: {  	[smem:$0x3F9E] =	sst lr;
	_ =	strace $0xD0000000  }
0x3: {  	_ = 	snop  }
0x4: {  	_ = 	snop  }
0x5: {  	_ = 	snop  }
0x6: {  	_ = 	snop  }
0x7: {  	_ = 	snop  }
__scs_overlays_trampoline_lowered:
0x8: {  	[smem:$0x3FAD] =	sst s0  }
0x9: {  	[smem:$0x3FAE] =	sst s1  }
0xa: {  	[smem:$0x3FAF] =	sst s2  }
0xb: {  	[smem:$0x3FB0] =	sst s3  }
0xc: {  	[smem:$0x3FB1] =	sst s4  }
0xd: {  	[smem:$0x3FB2] =	sst s5  }
0xe: {  	[smem:$0x3FB3] =	sst s6  }
0xf: {  	[smem:$0x3FB4] =	sst s7  }
0x10: {  	[smem:$0x3FB5] =	sst s8  }
0x11: {  	[smem:$0x3FB6] =	sst s9;
	s0 =	simm.s32 @!p0 $0x0  }
0x12: {  	s1 =	sld [smem:$0x3F9C];
	s0 =	simm.s32 @p0 $0x1  }
0x13: {  	[smem:$0x3FB7] =	sst s0;
	s0 =	simm.s32 @!p1 $0x0  }
0x14: {  	s2 =	sld [smem:$0x3F9B];
	s0 =	simm.s32 @p1 $0x1  }
0x15: {  	[smem:$0x3FB8] =	sst s0;
	s0 =	simm.s32 @!p2 $0x0  }
0x16: {  	s3 =	sld [smem:$0x3FDB];
	s0 =	simm.s32 @p2 $0x1  }
0x17: {  	s4 =	simm.s32 $0x1BF5;
	[smem:$0x3FBA] =	sst s0  }
0x18: {  	s0 =	sld [smem:$0x3F9D];
	_ =	swait.ge [sflag:s4], $0x0  }
0x19: {  	s7 =	sld [smem:$0x3F9E]  }
0x1a: {  	s8 =	sadd.s32 $0xFFFFE003, lr  }
0x1b: {  	s9 =	sadd.s32 $0xFFFFFEF7, lr;
	s5 =	simm.s32 $0xFFFFFFFF;
	p2 =	slt.u32 s8, $0xFFFFF086  }
0x1c: {  	p1 =	slt.u32 s9, $0xF7A;
	s5 =	simm.s32 @!p2 $0x0  }
0x1d: {  	s5 =	simm.s32 @p1 $0x1;
	p0 =	seq.s32 s7, s2  }
0x1e: {  	s7 =	smul.u32 @!p0 $0xF7A, s2;
	p2 =	seq.s32 @!p0 s5, $0x0  }
0x1f: {  	s9 =	smul.u32 $0xF7A, s1;
	s8 =	simm.s32 @!p0 $0x1BF5;
	p2 =	por !p2, p0  }
0x20: {  	[sflag:s8] =	ssyncset.s32 @!p0 $0xFFFFF086;
	s6 =	sadd.s32 @!p0 s3, s7;
	s7 =	simm.s32 @!p0 $0x108  }
0x21: {  	s3 =	sadd.s32 s3, s9;
	s6 =	sadd.s32 @!p0 $0x88, s6;
	s7 =	simm.s32 @p2 $0x1082  }
0x22: {  	[simem:s7], [sflag:s8] =	dma.local @!p0 [hbm:s6], $0xF7A  }
0x23: {  	s9 =	sor.u32 $0xD0000000, s2;
	s6 =	simm.s32 $0x108;
	_ =	swait.ge @!p0 [sflag:s8], $0x0  }
0x24: {  	s3 =	sadd.s32 $0x88, s3;
	s6 =	simm.s32 @!p1 $0x1082;
	[sflag:s4] =	ssyncset.s32 $0xFFFFF086  }
0x25: {  	[simem:s6], [sflag:s4] =	dma.local [hbm:s3], $0xF7A  }
0x26: {  	[smem:$0x3F9E] =	sst s1;
	(tag) =	ssettag s2;
	_ =	strace s9  }
0x27: {  	s1 =	sld [smem:$0x3FAE]  }
0x28: {  	s2 =	sld [smem:$0x3FAF]  }
0x29: {  	s4 =	sld [smem:$0x3FB1]  }
0x2a: {  	p0 =	seq.s32 s5, $0x0;
	s5 =	sld [smem:$0x3FB2]  }
0x2b: {  	s6 =	sld [smem:$0x3FB3]  }
0x2c: {  	s7 =	sld [smem:$0x3FB4]  }
0x2d: {  	s3 =	simm.s32 $0x108;
	s8 =	sld [smem:$0x3FB5]  }
0x2e: {  	s3 =	simm.s32 @!p0 $0x1082;
	s9 =	sld [smem:$0x3FB6]  }
0x2f: {  	lr =	sadd.s32 s0, s3;
	s0 =	sld [smem:$0x3FAD]  }
0x30: {  	s3 =	sld [smem:$0x3FB0]  }
0x31: {  	[smem:$0x3FB9] =	sst s10  }
0x32: {  	s10 =	sld [smem:$0x3FB7];
	_ =	sdelay $0x3  }
0x33: {  	p0 =	seq.s32 s10, $0x1;
	s10 =	sld [smem:$0x3FB9];
	_ =	sdelay $0x3  }
0x34: {  	[smem:$0x3FB9] =	sst s10  }
0x35: {  	s10 =	sld [smem:$0x3FB8];
	_ =	sdelay $0x3  }
0x36: {  	p1 =	seq.s32 s10, $0x1;
	s10 =	sld [smem:$0x3FB9];
	_ =	sdelay $0x3  }
0x37: {  	[smem:$0x3FB9] =	sst s10  }
0x38: {  	s10 =	sld [smem:$0x3FBA]  }
0x39: {  	_ = 	snop;
	(pc) =	sbr.ind lr, $3  }
0x3a: {  	_ = 	snop  }
0x3b: {  	_ = 	snop  }
0x3c: {  	p2 =	seq.s32 s10, $0x1;
	s10 =	sld [smem:$0x3FB9]  }
0x3d: {  	_ =	shalt  }
0x3e: {  	_ =	shalt  }
0x3f: {  	_ =	shalt  }
0x40: {  	_ =	shalt  }
0x41: {  	_ =	shalt  }
0x42: {  	_ =	shalt  }
0x43: {  	_ =	shalt  }
0x44: {  	_ =	shalt  }
0x45: {  	_ =	shalt  }
0x46: {  	_ =	shalt  }
0x47: {  	_ =	shalt  }
0x48: {  	_ =	shalt  }
0x49: {  	_ =	shalt  }
0x4a: {  	_ =	shalt  }
0x4b: {  	_ =	shalt  }
0x4c: {  	_ =	shalt  }
0x4d: {  	_ =	shalt  }
0x4e: {  	_ =	shalt  }
0x4f: {  	_ =	shalt  }
0x50: {  	_ =	shalt  }
0x51: {  	_ =	shalt  }
0x52: {  	_ =	shalt  }
0x53: {  	_ =	shalt  }
0x54: {  	_ =	shalt  }
0x55: {  	_ =	shalt  }
0x56: {  	_ =	shalt  }
0x57: {  	_ =	shalt  }
0x58: {  	_ =	shalt  }
0x59: {  	_ =	shalt  }
0x5a: {  	_ =	shalt  }
0x5b: {  	_ =	shalt  }
0x5c: {  	_ =	shalt  }
0x5d: {  	_ =	shalt  }
0x5e: {  	_ =	shalt  }
0x5f: {  	_ =	shalt  }
0x60: {  	_ =	shalt  }
0x61: {  	_ =	shalt  }
0x62: {  	_ =	shalt  }
0x63: {  	_ =	shalt  }
0x64: {  	_ =	shalt  }
0x65: {  	_ =	shalt  }
0x66: {  	_ =	shalt  }
0x67: {  	_ =	shalt  }
0x68: {  	_ =	shalt  }
0x69: {  	_ =	shalt  }
0x6a: {  	_ =	shalt  }
0x6b: {  	_ =	shalt  }
0x6c: {  	_ =	shalt  }
0x6d: {  	_ =	shalt  }
0x6e: {  	_ =	shalt  }
0x6f: {  	_ =	shalt  }
0x70: {  	_ =	shalt  }
0x71: {  	_ =	shalt  }
0x72: {  	_ =	shalt  }
0x73: {  	_ =	shalt  }
0x74: {  	_ =	shalt  }
0x75: {  	_ =	shalt  }
0x76: {  	_ =	shalt  }
0x77: {  	_ =	shalt  }
0x78: {  	_ =	shalt  }
0x79: {  	_ =	shalt  }
0x7a: {  	_ =	shalt  }
0x7b: {  	_ =	shalt  }
0x7c: {  	_ =	shalt  }
0x7d: {  	_ =	shalt  }
0x7e: {  	_ =	shalt  }
0x7f: {  	_ =	shalt  }
0x80: {  	_ =	shalt  }
0x81: {  	_ =	shalt  }
0x82: {  	_ =	shalt  }
0x83: {  	_ =	shalt  }
0x84: {  	_ =	shalt  }
0x85: {  	_ =	shalt  }
0x86: {  	_ =	shalt  }
0x87: {  	_ =	shalt  }
.Lfunc_end0:
.L_simem_size_0:
called_computation_lowered:
.L_overlay_start_0:
0x88: {  	s2 =	sld [smem:$0x3FD9]  }
0x89: {  	s3 =	sld [smem:$0x3FFE];
	_ =	sdelay $0x1  }
0x8a: {  	s1 =	srdreg.scid  }
0x8b: {  	s0 =	sand.u32 $0x1, s1  }
0x8c: {  	s17 =	sshll.u32 s0, $0xA;
	s2 =	sadd.s32 s3, s2  }
0x8d: {  	s2 =	sadd.s32 s2, s17  }
0x8e: {  	[smem:$0x3FC5] =	sst s2  }
0x8f: {  	_ = 	snop  }
0x90: {  	s2 =	sld [smem:$0x3FC8]  }
0x91: {  	s18 =	sld [smem:$0x3FC7]  }
0x92: {  	s4 =	sld [smem:$0x3FD0];
	(tm) =	ssettm $0x1  }
0x93: {  	s5 =	sld [smem:$0x3FFB];
	_ =	sdelay $0x3  }
0x94: {  	_ =	strace s5  }
0x95: {  	s5 =	sld [smem:$0x3FFC];
	_ =	sdelay $0x3  }
0x96: {  	_ =	strace s5  }
0x97: {  	s5 =	sld [smem:$0x3FFD];
	_ =	sdelay $0x3  }
0x98: {  	_ =	strace s5  }
0x99: {  	_ =	strace $0x8FFFFFFF  }
0x9a: {  	s19 =	sld [smem:$0x3FDB];
	_ =	sdelay $0x1  }
0x9b: {  	s6 =	simm.s32 $_scs_section_size  }
0x9c: {  	s7 =	simm.s32 $_size__tile_overlayer_lowered;
	s8 =	simm.s32 $_tile_overlayer_lowered  }
0x9d: {  	s22 =	simm.s32 $0x1BFF;
	s21 =	sshll.u32 s8, $0x1;
	s5 =	sadd.s32 s6, s19  }
0x9e: {  	s9 =	simm.s32 $0x0;
	s20 =	sshll.u32 s7, $0x1;
	s7 =	sadd.s32 s21, s5  }
0x9f: {  	[timem:s9], [sflag:s22] =	dma.local [hbm:s7], s20  }
0xa0: {  	_ =	swait.ge [sflag:s22], s20  }
0xa1: {  	s6 =	ssub.s32 $0x0, s20;
	[sflag:s22] =	ssyncset.done $0x0  }
0xa2: {  	[sflag:s22] =	ssyncadd.s32 s6;
	_ =	sdelay $0x1  }
0xa3: {  	s23 =	simm.s32 $0x1B8B  }
0xa4: {  	_ =	swait.ge [sflag:s23], $0x1  }
0xa5: {  	[sflag:s23] =	ssyncset.done $0x0  }
0xa6: {  	s25 =	simm.s32 $0x1B8E;
	s24 =	sld [smem:$0x3FFE];
	[sflag:s23] =	ssyncadd.s32 $0xFFFFFFFF  }
0xa7: {  	s26 =	simm.s32 $execute0_lowered;
	[smem:$0x3FD2] =	sst s25  }
0xa8: {  	s7 =	sshll.u32 s26, $0x1;
	_ =	strace $0x80000046;
	[dreg:$0x1] =	wrdreg $0xFFFFFFFF  }
0xa9: {  	s28 =	simm.s32 $_size_execute0_lowered;
	s5 =	sadd.s32 s5, s7;
	[dreg:$0x0] =	wrdreg $0x0  }
0xaa: {  	s7 =	sshll.u32 s28, $0x1;
	[dreg:$0x2] =	wrdreg s5  }
0xab: {  	[dreg:$0x3] =	wrdreg s7  }
0xac: {  	[dreg:$0x4] =	wrdreg $0xC0  }
0xad: {  	_ =	task [dreg:s9], $0x5FFFF  }
0xae: {  	[dreg:$0x1] =	wrdreg $0xFFFFFFFF  }
0xaf: {  	[dreg:$0x0] =	wrdreg $0x60  }
0xb0: {  	[dreg:$0x2] =	wrdreg s24  }
0xb1: {  	[dreg:$0x3] =	wrdreg s2  }
0xb2: {  	[dreg:$0x4] =	wrdreg s18  }
0xb3: {  	[dreg:$0x5] =	wrdreg s4  }
0xb4: {  	[dreg:$0x6] =	wrdreg $0x9  }
0xb5: {  	_ =	task.clear_ibuf [dreg:s9], $0x7FFFF;
	_ =	strace $0x90000046  }
0xb6: {  	s29 =	simm.s32 $0x9;
	_ =	strace $0x80000048  }
0xb7: {  	_ =	swait.ge [sflag:s29], $0x1  }
0xb8: {  	[sflag:s29] =	ssyncadd.s32 $0xFFFFFFFF  }
0xb9: {  	_ =	strace $0x90000048  }
0xba: {  	_ =	sfence  }
0xbb: {  	s30 =	sld [smem:$0x0];
	_ =	sdelay $0x2  }
0xbc: {  	s31 =	sshll.u32 s1, $0xD;
	s1 =	sshrl.u32 s1, $0x2  }
0xbd: {  	s3 =	sand.u32 $0x4000, s31;
	s1 =	sadd.s32 s1, s30  }
0xbe: {  	s0 =	sor.u32 s3, s0;
	s1 =	sshll.u32 s1, $0x11  }
0xbf: {  	s0 =	sor.u32 s1, s0  }
0xc0: {  	s0 =	sadd.s32 $0x8F2B, s0  }
0xc1: {  	[sflag:s0] =	ssyncadd.remote.s32 $0x1  }
0xc2: {  	_ =	sfence.sel $0xFFFF  }
0xc3: {  	[dreg:$0x0] =	wrdreg $0xFFFFFFFF;
	(pc) =	sbr.abs _section_cstart, $3  }
0xc4: {  	[dreg:$0x1] =	wrdreg $0xFFFFFFFF  }
0xc5: {  	_ =	task.clear_ibuf [dreg:s9], $0x2FFFF;
	_ =	strace $0x9FFFFFFF  }
0xc6: {  	(tm) =	ssettm $0x7FFFFFFF  }
0xc7: {  	_ =	shalt  }
tec
execute0_lowered:
.L_overlay_start_1:
0x0: {  	(tag) =	ssettag $0x1  }
0x1: {  	s0 =	rddreg [dreg:$0x0]  }
0x2: {  	s1 =	rddreg [dreg:$0x1];
	s2 =	srdreg.scid  }
0x3: {  	s3 =	stileid.u32;
	s4 =	rddreg [dreg:$0x3];
	s5 =	simm.s32 $0x0  }
0x4: {  	s11 =	simm.s32 $0xE400;
	s28 =	simm.s32 $0x1;
	s29 =	simm.s32 $0x16400  }
0x5: {  	s8 =	simm.s32 $0x1A400;
	s9 =	simm.s32 $0x1AC00;
	s12 =	simm.s32 $0x1B400  }
0x6: {  	s13 =	simm.s32 $0x1BC00;
	s14 =	simm.s32 $0x1C400;
	s15 =	simm.s32 $0x1CC00  }
0x7: {  	s16 =	simm.s32 $0x1D400;
	s2 =	sand.u32 $0x1, s2;
	s3 =	sshll.u32 s3, $0x1  }
0x8: {  	s17 =	simm.s32 $0x1DC00;
	s3 =	sor.u32 s2, s3;
	s2 =	ssub.s32 $0x2, s2  }
0x9: {  	s18 =	simm.s32 $0x2;
	s6 =	smul.u32 $0x380, s3;
	s7 =	sshrl.u32 s2, $0x1  }
0xa: {  	s19 =	simm.s32 $0x3;
	[smem:$0x7FF] =	sst s5;
	s2 =	ssub.s32 s2, s7  }
0xb: {  	v2 =	vlaneseq.u32;
	_ =	strace $0x80000047;
	s0 =	sadd.s32 s6, s0;
	s31 =	smax.u32 s2, $0x1  }
0xc: {  	vm0 =	vmmov $0xffff;
	v1 =	vshrl.u32 v2, $0x3;
	s7 =	simm.s32 $0x19C00;
	s0 =	sadd.s32 $0x400, s0;
	[dreg:$0x6] =	wrdreg s31  }
0xd: {  	v0 =	vand.u32 $0x7, v2;
	v2 =	vor.u32 $0x8, v2;
	v1 =	vmul.u32 $0x8, v1;
	s6 =	smul.u32 $0x1900, s3;
	s3 =	simm.s32 $0x0;
	[dreg:$0x5] =	wrdreg s0  }
.LBB2_1:
0xe: {  	[dreg:$0x7] =	wrdreg s3  }
0xf: {  	s0 =	rddreg [dreg:$0x5];
	s2 =	simm.s32 $0x5  }
0x10: {  	[tilespmem:s5], [sflag:$0x5] =	stream.linear.gather [hbm4b:s0+s5], $0x1900, $0x38;
	[tilespmem:$0x1E400] =	vst v63  }
0x11: {  	_ =	swait.ge [sflag:s2], $0x1900  }
0x12: {  	[sflag:s2] =	ssyncset.done $0x0  }
0x13: {  	[sflag:s2] =	ssyncadd.s32 $0xFFFFE700  }
0x14: {  	s25 =	simm.s32 $0x1C00;
	s24 =	rddreg [dreg:$0x2]  }
0x15: {  	[tilespmem:s25], [sflag:$0x5] =	stream.linear.gather [hbm4b:s24+s5], $0xC800, $0x38;
	[tilespmem:$0x1E400] =	vst v63  }
0x16: {  	_ =	swait.ge [sflag:s2], $0xC800  }
0x17: {  	[sflag:s2] =	ssyncset.done $0x0  }
0x18: {  	[sflag:s2] =	ssyncadd.s32 $0xFFFF3800  }
0x19: {  	v3 =	vld [tilespmem:$0x0];
	_ =	sdelay $0x4  }
0x1a: {  	v4 =	vshll.u32 v3, $0x1  }
0x1b: {  	v3 =	vand.u32 $0x7, v3;
	v4 =	vand.u32 $0xFFFFFFF0, v4  }
0x1c: {  	v3 =	vor.u32 v3, v4  }
0x1d: {  	v4 =	vperm.xlane v3, v0;
	_ =	sdelay $0x1  }
0x1e: {  	v3 =	vperm.xlane v3, v2;
	v4 =	vadd.s32 v1, v4;
	_ =	sdelay $0x1  }
0x1f: {  	v3 =	vadd.s32 v1, v3;
	_ =	sdelay $0x2  }
0x20: {  	[tilespmem:s11], [sflag:$0x1] =	stream.indirect_vreg.gather [hbm4b:s1+s5], $0x80, v4, vm0, $0xb8;
	[tilespmem:$0x1E400] =	vst v63  }
0x21: {  	s26 =	simm.s32 $0xEC00  }
0x22: {  	[tilespmem:s26], [sflag:$0x1] =	stream.indirect_vreg.gather [hbm4b:s1+s5], $0x80, v3, vm0, $0xb8;
	[tilespmem:$0x1E400] =	vst v63  }
0x23: {  	v3 =	vld [tilespmem:$0x10];
	_ =	sdelay $0x4  }
0x24: {  	v57 =	vshll.u32 v3, $0x1  }
0x25: {  	v3 =	vand.u32 $0x7, v3;
	v4 =	vand.u32 $0xFFFFFFF0, v57  }
0x26: {  	v3 =	vor.u32 v3, v4  }
0x27: {  	v4 =	vperm.xlane v3, v0;
	_ =	sdelay $0x1  }
0x28: {  	v3 =	vperm.xlane v3, v2;
	v4 =	vadd.s32 v1, v4;
	_ =	sdelay $0x1  }
0x29: {  	v3 =	vadd.s32 v1, v3;
	_ =	sdelay $0x1  }
0x2a: {  	s30 =	simm.s32 $0xF400  }
0x2b: {  	[tilespmem:s30], [sflag:$0x1] =	stream.indirect_vreg.gather [hbm4b:s1+s5], $0x80, v4, vm0, $0xb8;
	[tilespmem:$0x1E400] =	vst v63  }
0x2c: {  	s31 =	simm.s32 $0xFC00  }
0x2d: {  	[tilespmem:s31], [sflag:$0x1] =	stream.indirect_vreg.gather [hbm4b:s1+s5], $0x80, v3, vm0, $0xb8;
	[tilespmem:$0x1E400] =	vst v63  }
0x2e: {  	v3 =	vld [tilespmem:$0x20];
	_ =	sdelay $0x4  }
0x2f: {  	v58 =	vshll.u32 v3, $0x1  }
0x30: {  	v3 =	vand.u32 $0x7, v3;
	v4 =	vand.u32 $0xFFFFFFF0, v58  }
0x31: {  	v3 =	vor.u32 v3, v4  }
0x32: {  	v4 =	vperm.xlane v3, v0;
	_ =	sdelay $0x1  }
0x33: {  	v3 =	vperm.xlane v3, v2;
	v4 =	vadd.s32 v1, v4;
	_ =	sdelay $0x1  }
0x34: {  	v3 =	vadd.s32 v1, v3;
	_ =	sdelay $0x1  }
0x35: {  	s2 =	simm.s32 $0x10400  }
0x36: {  	[tilespmem:s2], [sflag:$0x1] =	stream.indirect_vreg.gather [hbm4b:s1+s5], $0x80, v4, vm0, $0xb8;
	[tilespmem:$0x1E400] =	vst v63  }
0x37: {  	s3 =	simm.s32 $0x10C00  }
0x38: {  	[tilespmem:s3], [sflag:$0x1] =	stream.indirect_vreg.gather [hbm4b:s1+s5], $0x80, v3, vm0, $0xb8;
	[tilespmem:$0x1E400] =	vst v63  }
0x39: {  	v3 =	vld [tilespmem:$0x30];
	_ =	sdelay $0x4  }
0x3a: {  	v59 =	vshll.u32 v3, $0x1  }
0x3b: {  	v3 =	vand.u32 $0x7, v3;
	v4 =	vand.u32 $0xFFFFFFF0, v59  }
0x3c: {  	v3 =	vor.u32 v3, v4  }
0x3d: {  	v4 =	vperm.xlane v3, v0;
	_ =	sdelay $0x1  }
0x3e: {  	v3 =	vperm.xlane v3, v2;
	v4 =	vadd.s32 v1, v4;
	_ =	sdelay $0x1  }
0x3f: {  	v3 =	vadd.s32 v1, v3;
	_ =	sdelay $0x1  }
0x40: {  	s10 =	simm.s32 $0x11400  }
0x41: {  	[tilespmem:s10], [sflag:$0x1] =	stream.indirect_vreg.gather [hbm4b:s1+s5], $0x80, v4, vm0, $0xb8;
	[tilespmem:$0x1E400] =	vst v63  }
0x42: {  	s20 =	simm.s32 $0x11C00  }
0x43: {  	[tilespmem:s20], [sflag:$0x1] =	stream.indirect_vreg.gather [hbm4b:s1+s5], $0x80, v3, vm0, $0xb8;
	[tilespmem:$0x1E400] =	vst v63  }
0x44: {  	v3 =	vld [tilespmem:$0x40];
	_ =	sdelay $0x4  }
0x45: {  	v60 =	vshll.u32 v3, $0x1  }
0x46: {  	v3 =	vand.u32 $0x7, v3;
	v4 =	vand.u32 $0xFFFFFFF0, v60  }
0x47: {  	v3 =	vor.u32 v3, v4  }
0x48: {  	v4 =	vperm.xlane v3, v0;
	_ =	sdelay $0x1  }
0x49: {  	v3 =	vperm.xlane v3, v2;
	v4 =	vadd.s32 v1, v4;
	_ =	sdelay $0x1  }
0x4a: {  	v3 =	vadd.s32 v1, v3;
	_ =	sdelay $0x1  }
0x4b: {  	s21 =	simm.s32 $0x12400  }
0x4c: {  	[tilespmem:s21], [sflag:$0x1] =	stream.indirect_vreg.gather [hbm4b:s1+s5], $0x80, v4, vm0, $0xb8;
	[tilespmem:$0x1E400] =	vst v63  }
0x4d: {  	s22 =	simm.s32 $0x12C00  }
0x4e: {  	[tilespmem:s22], [sflag:$0x1] =	stream.indirect_vreg.gather [hbm4b:s1+s5], $0x80, v3, vm0, $0xb8;
	[tilespmem:$0x1E400] =	vst v63  }
0x4f: {  	v3 =	vld [tilespmem:$0x50];
	_ =	sdelay $0x4  }
0x50: {  	v61 =	vshll.u32 v3, $0x1  }
0x51: {  	v3 =	vand.u32 $0x7, v3;
	v4 =	vand.u32 $0xFFFFFFF0, v61  }
0x52: {  	v3 =	vor.u32 v3, v4  }
0x53: {  	v4 =	vperm.xlane v3, v0;
	_ =	sdelay $0x1  }
0x54: {  	v3 =	vperm.xlane v3, v2;
	v4 =	vadd.s32 v1, v4;
	_ =	sdelay $0x1  }
0x55: {  	v3 =	vadd.s32 v1, v3;
	_ =	sdelay $0x1  }
0x56: {  	s23 =	simm.s32 $0x13400  }
0x57: {  	[tilespmem:s23], [sflag:$0x1] =	stream.indirect_vreg.gather [hbm4b:s1+s5], $0x80, v4, vm0, $0xb8;
	[tilespmem:$0x1E400] =	vst v63  }
0x58: {  	s24 =	simm.s32 $0x13C00  }
0x59: {  	[tilespmem:s24], [sflag:$0x1] =	stream.indirect_vreg.gather [hbm4b:s1+s5], $0x80, v3, vm0, $0xb8;
	[tilespmem:$0x1E400] =	vst v63  }
0x5a: {  	v3 =	vld [tilespmem:$0x60];
	_ =	sdelay $0x4  }
0x5b: {  	v62 =	vshll.u32 v3, $0x1  }
0x5c: {  	v3 =	vand.u32 $0x7, v3;
	v4 =	vand.u32 $0xFFFFFFF0, v62  }
0x5d: {  	v3 =	vor.u32 v3, v4  }
0x5e: {  	v4 =	vperm.xlane v3, v0;
	_ =	sdelay $0x1  }
0x5f: {  	v3 =	vperm.xlane v3, v2;
	v4 =	vadd.s32 v1, v4;
	_ =	sdelay $0x1  }
0x60: {  	v3 =	vadd.s32 v1, v3;
	_ =	sdelay $0x1  }
0x61: {  	s25 =	simm.s32 $0x14400  }
0x62: {  	[tilespmem:s25], [sflag:$0x1] =	stream.indirect_vreg.gather [hbm4b:s1+s5], $0x80, v4, vm0, $0xb8;
	[tilespmem:$0x1E400] =	vst v63  }
0x63: {  	s26 =	simm.s32 $0x14C00  }
0x64: {  	[tilespmem:s26], [sflag:$0x1] =	stream.indirect_vreg.gather [hbm4b:s1+s5], $0x80, v3, vm0, $0xb8;
	[tilespmem:$0x1E400] =	vst v63  }
0x65: {  	v3 =	vld [tilespmem:$0x70];
	_ =	sdelay $0x4  }
0x66: {  	v63 =	vshll.u32 v3, $0x1  }
0x67: {  	v3 =	vand.u32 $0x7, v3;
	v4 =	vand.u32 $0xFFFFFFF0, v63  }
0x68: {  	v3 =	vor.u32 v3, v4  }
0x69: {  	v4 =	vperm.xlane v3, v0;
	_ =	sdelay $0x1  }
0x6a: {  	v3 =	vperm.xlane v3, v2;
	v4 =	vadd.s32 v1, v4;
	_ =	sdelay $0x1  }
0x6b: {  	v3 =	vadd.s32 v1, v3;
	_ =	sdelay $0x1  }
0x6c: {  	s30 =	simm.s32 $0x15400;
	s31 =	simm.s32 $0x15C00  }
0x6d: {  	[tilespmem:s30], [sflag:$0x1] =	stream.indirect_vreg.gather [hbm4b:s1+s5], $0x80, v4, vm0, $0xb8;
	[tilespmem:$0x1E400] =	vst v63  }
0x6e: {  	s20 =	simm.s32 $0x80;
	s21 =	simm.s32 $0x0;
	s22 =	simm.s32 $0x0  }
0x6f: {  	[tilespmem:s31], [sflag:$0x1] =	stream.indirect_vreg.gather [hbm4b:s1+s5], $0x80, v3, vm0, $0xb8;
	[tilespmem:$0x1E400] =	vst v63  }
.LBB2_2:
0x70: {  	_ =	swait.ge [sflag:s28], $0x8000  }
0x71: {  	p0 =	seq.s32 s22, $0x0;
	[sflag:s28] =	ssyncset.done $0x0  }
0x72: {  	s0 =	simm.s32 @!p0 $0x4;
	[sflag:s28] =	ssyncadd.s32 $0xFFFF8000  }
0x73: {  	_ =	swait.ge @!p0 [sflag:s0], $0x8000  }
0x74: {  	[sflag:s0] =	ssyncset.done @!p0 $0x0  }
0x75: {  	s25 =	sshll.u32 s22, $0x8;
	[sflag:s0] =	ssyncadd.s32 @!p0 $0xFFFF8000  }
0x76: {  	v3 =	vld [tilespmem:s25+$0x80];
	_ =	sdelay $0x4  }
0x77: {  	v4 =	vshll.u32 v3, $0x1  }
0x78: {  	v3 =	vand.u32 $0x7, v3;
	v4 =	vand.u32 $0xFFFFFFF0, v4  }
0x79: {  	v3 =	vor.u32 v3, v4  }
0x7a: {  	v4 =	vperm.xlane v3, v0;
	_ =	sdelay $0x1  }
0x7b: {  	v3 =	vperm.xlane v3, v2;
	v4 =	vadd.s32 v1, v4;
	_ =	sdelay $0x1  }
0x7c: {  	v3 =	vadd.s32 v1, v3;
	_ =	sdelay $0x1  }
0x7d: {  	s26 =	simm.s32 $0x0  }
0x7e: {  	[tilespmem:s29], [sflag:$0x2] =	stream.indirect_vreg.gather [hbm4b:s1+s26], $0x80, v4, vm0, $0xb8;
	[tilespmem:$0x1E400] =	vst v63  }
0x7f: {  	s23 =	simm.s32 $0x16C00  }
0x80: {  	[tilespmem:s23], [sflag:$0x2] =	stream.indirect_vreg.gather [hbm4b:s1+s26], $0x80, v3, vm0, $0xb8;
	[tilespmem:$0x1E400] =	vst v63  }
0x81: {  	v3 =	vld [tilespmem:s25+$0x90];
	_ =	sdelay $0x4  }
0x82: {  	v4 =	vshll.u32 v3, $0x1  }
0x83: {  	v3 =	vand.u32 $0x7, v3;
	v4 =	vand.u32 $0xFFFFFFF0, v4  }
0x84: {  	v3 =	vor.u32 v3, v4  }
0x85: {  	v4 =	vperm.xlane v3, v0;
	_ =	sdelay $0x1  }
0x86: {  	v3 =	vperm.xlane v3, v2;
	v4 =	vadd.s32 v1, v4;
	_ =	sdelay $0x1  }
0x87: {  	v3 =	vadd.s32 v1, v3;
	_ =	sdelay $0x1  }
0x88: {  	s24 =	simm.s32 $0x17400  }
0x89: {  	[tilespmem:s24], [sflag:$0x2] =	stream.indirect_vreg.gather [hbm4b:s1+s26], $0x80, v4, vm0, $0xb8;
	[tilespmem:$0x1E400] =	vst v63  }
0x8a: {  	s2 =	simm.s32 $0x17C00  }
0x8b: {  	[tilespmem:s2], [sflag:$0x2] =	stream.indirect_vreg.gather [hbm4b:s1+s26], $0x80, v3, vm0, $0xb8;
	[tilespmem:$0x1E400] =	vst v63  }
0x8c: {  	v3 =	vld [tilespmem:s25+$0xA0];
	_ =	sdelay $0x4  }
0x8d: {  	v4 =	vshll.u32 v3, $0x1  }
0x8e: {  	v3 =	vand.u32 $0x7, v3;
	v4 =	vand.u32 $0xFFFFFFF0, v4  }
0x8f: {  	v3 =	vor.u32 v3, v4  }
0x90: {  	v4 =	vperm.xlane v3, v0;
	_ =	sdelay $0x1  }
0x91: {  	v3 =	vperm.xlane v3, v2;
	v4 =	vadd.s32 v1, v4;
	_ =	sdelay $0x1  }
0x92: {  	v3 =	vadd.s32 v1, v3;
	_ =	sdelay $0x1  }
0x93: {  	s3 =	simm.s32 $0x18400  }
0x94: {  	[tilespmem:s3], [sflag:$0x2] =	stream.indirect_vreg.gather [hbm4b:s1+s26], $0x80, v4, vm0, $0xb8;
	[tilespmem:$0x1E400] =	vst v63  }
0x95: {  	s10 =	simm.s32 $0x18C00  }
0x96: {  	[tilespmem:s10], [sflag:$0x2] =	stream.indirect_vreg.gather [hbm4b:s1+s26], $0x80, v3, vm0, $0xb8;
	[tilespmem:$0x1E400] =	vst v63  }
0x97: {  	v3 =	vld [tilespmem:s25+$0xB0];
	_ =	sdelay $0x4  }
0x98: {  	v4 =	vshll.u32 v3, $0x1  }
0x99: {  	v3 =	vand.u32 $0x7, v3;
	v4 =	vand.u32 $0xFFFFFFF0, v4  }
0x9a: {  	v3 =	vor.u32 v3, v4  }
0x9b: {  	v4 =	vperm.xlane v3, v0;
	_ =	sdelay $0x1  }
0x9c: {  	v3 =	vperm.xlane v3, v2;
	v4 =	vadd.s32 v1, v4;
	_ =	sdelay $0x1  }
0x9d: {  	v3 =	vadd.s32 v1, v3;
	_ =	sdelay $0x1  }
0x9e: {  	s23 =	simm.s32 $0x19400  }
0x9f: {  	[tilespmem:s23], [sflag:$0x2] =	stream.indirect_vreg.gather [hbm4b:s1+s26], $0x80, v4, vm0, $0xb8;
	[tilespmem:$0x1E400] =	vst v63  }
0xa0: {  	_ = 	snop  }
0xa1: {  	[tilespmem:s7], [sflag:$0x2] =	stream.indirect_vreg.gather [hbm4b:s1+s26], $0x80, v3, vm0, $0xb8;
	[tilespmem:$0x1E400] =	vst v63  }
0xa2: {  	v3 =	vld [tilespmem:s25+$0xC0];
	_ =	sdelay $0x4  }
0xa3: {  	v4 =	vshll.u32 v3, $0x1  }
0xa4: {  	v3 =	vand.u32 $0x7, v3;
	v4 =	vand.u32 $0xFFFFFFF0, v4  }
0xa5: {  	v3 =	vor.u32 v3, v4  }
0xa6: {  	v4 =	vperm.xlane v3, v0;
	_ =	sdelay $0x1  }
0xa7: {  	v3 =	vperm.xlane v3, v2;
	v4 =	vadd.s32 v1, v4;
	_ =	sdelay $0x1  }
0xa8: {  	v3 =	vadd.s32 v1, v3;
	_ =	sdelay $0x2  }
0xa9: {  	[tilespmem:s8], [sflag:$0x2] =	stream.indirect_vreg.gather [hbm4b:s1+s26], $0x80, v4, vm0, $0xb8;
	[tilespmem:$0x1E400] =	vst v63  }
0xaa: {  	_ = 	snop  }
0xab: {  	[tilespmem:s9], [sflag:$0x2] =	stream.indirect_vreg.gather [hbm4b:s1+s26], $0x80, v3, vm0, $0xb8;
	[tilespmem:$0x1E400] =	vst v63  }
0xac: {  	v3 =	vld [tilespmem:s25+$0xD0];
	_ =	sdelay $0x4  }
0xad: {  	v4 =	vshll.u32 v3, $0x1  }
0xae: {  	v3 =	vand.u32 $0x7, v3;
	v4 =	vand.u32 $0xFFFFFFF0, v4  }
0xaf: {  	v3 =	vor.u32 v3, v4  }
0xb0: {  	v4 =	vperm.xlane v3, v0;
	_ =	sdelay $0x1  }
0xb1: {  	v3 =	vperm.xlane v3, v2;
	v4 =	vadd.s32 v1, v4;
	_ =	sdelay $0x1  }
0xb2: {  	v3 =	vadd.s32 v1, v3;
	_ =	sdelay $0x2  }
0xb3: {  	[tilespmem:s12], [sflag:$0x2] =	stream.indirect_vreg.gather [hbm4b:s1+s26], $0x80, v4, vm0, $0xb8;
	[tilespmem:$0x1E400] =	vst v63  }
0xb4: {  	_ = 	snop  }
0xb5: {  	[tilespmem:s13], [sflag:$0x2] =	stream.indirect_vreg.gather [hbm4b:s1+s26], $0x80, v3, vm0, $0xb8;
	[tilespmem:$0x1E400] =	vst v63  }
0xb6: {  	v3 =	vld [tilespmem:s25+$0xE0];
	_ =	sdelay $0x4  }
0xb7: {  	v4 =	vshll.u32 v3, $0x1  }
0xb8: {  	v3 =	vand.u32 $0x7, v3;
	v4 =	vand.u32 $0xFFFFFFF0, v4  }
0xb9: {  	v3 =	vor.u32 v3, v4  }
0xba: {  	v4 =	vperm.xlane v3, v0;
	_ =	sdelay $0x1  }
0xbb: {  	v3 =	vperm.xlane v3, v2;
	v4 =	vadd.s32 v1, v4;
	_ =	sdelay $0x1  }
0xbc: {  	v3 =	vadd.s32 v1, v3;
	_ =	sdelay $0x2  }
0xbd: {  	[tilespmem:s14], [sflag:$0x2] =	stream.indirect_vreg.gather [hbm4b:s1+s26], $0x80, v4, vm0, $0xb8;
	[tilespmem:$0x1E400] =	vst v63  }
0xbe: {  	_ = 	snop  }
0xbf: {  	[tilespmem:s15], [sflag:$0x2] =	stream.indirect_vreg.gather [hbm4b:s1+s26], $0x80, v3, vm0, $0xb8;
	[tilespmem:$0x1E400] =	vst v63  }
0xc0: {  	v3 =	vld [tilespmem:s25+$0xF0];
	_ =	sdelay $0x4  }
0xc1: {  	v4 =	vshll.u32 v3, $0x1  }
0xc2: {  	v3 =	vand.u32 $0x7, v3;
	v4 =	vand.u32 $0xFFFFFFF0, v4  }
0xc3: {  	v3 =	vor.u32 v3, v4  }
0xc4: {  	v4 =	vperm.xlane v3, v0;
	_ =	sdelay $0x1  }
0xc5: {  	v3 =	vperm.xlane v3, v2;
	v4 =	vadd.s32 v1, v4;
	_ =	sdelay $0x1  }
0xc6: {  	v3 =	vadd.s32 v1, v3;
	_ =	sdelay $0x1  }
0xc7: {  	s24 =	sand.u32 $0x7800, s26;
	s2 =	sand.u32 $0x380, s26  }
0xc8: {  	[tilespmem:s16], [sflag:$0x2] =	stream.indirect_vreg.gather [hbm4b:s1+s26], $0x80, v4, vm0, $0xb8;
	[tilespmem:$0x1E400] =	vst v63  }
0xc9: {  	s30 =	sor.u32 s2, s24  }
0xca: {  	[tilespmem:s17], [sflag:$0x2] =	stream.indirect_vreg.gather [hbm4b:s1+s26], $0x80, v3, vm0, $0xb8;
	[tilespmem:$0x1E400] =	vst v63  }
0xcb: {  	v22 =	vld [tilespmem:s30+$0xE400]  }
0xcc: {  	v16 =	vld [tilespmem:s30+$0xE410]  }
0xcd: {  	v15 =	vld [tilespmem:s30+$0xE420]  }
0xce: {  	v14 =	vld [tilespmem:s30+$0xE430]  }
0xcf: {  	v13 =	vld [tilespmem:s30+$0xE440]  }
0xd0: {  	s3 =	smulhi.u32 $0x51EB851F, s21;
	v12 =	vld [tilespmem:s30+$0xE450]  }
0xd1: {  	v11 =	vld [tilespmem:s30+$0xE460]  }
0xd2: {  	s0 =	sshrl.u32 s3, $0x6;
	v10 =	vld [tilespmem:s30+$0xE470]  }
0xd3: {  	s0 =	smul.u32 $0xC8, s0;
	v9 =	vld [tilespmem:s30+$0xE800]  }
0xd4: {  	v8 =	vld [tilespmem:s30+$0xE810]  }
0xd5: {  	s31 =	ssub.s32 s21, s0;
	v7 =	vld [tilespmem:s30+$0xE820]  }
0xd6: {  	s0 =	sadd.s32 $0xFFFFFF38, s31;
	v6 =	vld [tilespmem:s30+$0xE830]  }
0xd7: {  	s0 =	smin.u32 s0, s31;
	v5 =	vld [tilespmem:s30+$0xE840]  }
0xd8: {  	s10 =	sshll.u32 s0, $0x8;
	s0 =	sshll.u32 s0, $0x7;
	v3 =	vld [tilespmem:s30+$0xE850]  }
0xd9: {  	s2 =	sand.u32 $0xFFFFF800, s10;
	s0 =	sand.u32 $0x380, s0;
	s23 =	smulhi.u32 $0x51EB851F, s20;
	v4 =	vld [tilespmem:s30+$0xE860]  }
0xda: {  	s0 =	sor.u32 s0, s2;
	v17 =	vld [tilespmem:s30+$0xE870]  }
0xdb: {  	s24 =	sshrl.u32 s23, $0x6;
	v21 =	vld [tilespmem:s0+$0x1C00]  }
0xdc: {  	s2 =	smul.u32 $0xC8, s24;
	v20 =	vld [tilespmem:s0+$0x1C10]  }
0xdd: {  	v19 =	vld [tilespmem:s0+$0x1C20]  }
0xde: {  	s23 =	sor.u32 $0x80, s25;
	s24 =	ssub.s32 s21, s2;
	s2 =	simm.s32 $0x100;
	v18 =	vld [tilespmem:s0+$0x1C30];
	v22 =	vmul.f32 $1.600000000e+01, v22  }
.LBB2_3:
0xdf: {  	p0 =	sne.s32 s2, $0x7F00;
	v23 =	vld [tilespmem:s0+$0x1C40];
	v16 =	vmul.f32 $1.600000000e+01, v16  }
0xe0: {  	v15 =	vmul.f32 $1.600000000e+01, v15;
	v24 =	vld [tilespmem:s0+$0x1C50];
	v21 =	vadd.f32 v21, v22  }
0xe1: {  	v14 =	vmul.f32 $1.600000000e+01, v14;
	v22 =	vld [tilespmem:s0+$0x1C60];
	v16 =	vadd.f32 v20, v16  }
0xe2: {  	v13 =	vmul.f32 $1.600000000e+01, v13;
	v20 =	vld [tilespmem:s0+$0x1C70];
	v15 =	vadd.f32 v19, v15  }
0xe3: {  	v12 =	vmul.f32 $1.600000000e+01, v12;
	v19 =	vld [tilespmem:s0+$0x2070];
	v14 =	vadd.f32 v18, v14  }
0xe4: {  	v11 =	vmul.f32 $1.600000000e+01, v11;
	v18 =	vld [tilespmem:s0+$0x2000];
	v13 =	vadd.f32 v23, v13  }
0xe5: {  	v10 =	vmul.f32 $1.600000000e+01, v10;
	v23 =	vld [tilespmem:s0+$0x2010];
	v12 =	vadd.f32 v24, v12  }
0xe6: {  	v17 =	vmul.f32 $1.600000000e+01, v17;
	v24 =	vld [tilespmem:s0+$0x2020];
	v11 =	vadd.f32 v22, v11  }
0xe7: {  	v9 =	vmul.f32 $1.600000000e+01, v9;
	v22 =	vld [tilespmem:s0+$0x2030];
	v10 =	vadd.f32 v20, v10  }
0xe8: {  	v8 =	vmul.f32 $1.600000000e+01, v8;
	v20 =	vld [tilespmem:s0+$0x2040];
	v17 =	vadd.f32 v19, v17  }
0xe9: {  	v7 =	vmul.f32 $1.600000000e+01, v7;
	s26 =	sadd.s32 $0x80, s26;
	v19 =	vld [tilespmem:s0+$0x2050];
	v9 =	vadd.f32 v18, v9  }
0xea: {  	s3 =	sand.u32 $0x7800, s2;
	v6 =	vmul.f32 $1.600000000e+01, v6;
	s10 =	sand.u32 $0x380, s26;
	v18 =	vld [tilespmem:s0+$0x2060];
	v8 =	vadd.f32 v23, v8;
	[tilespmem:s30+$0xE870] =	vst v17  }
0xeb: {  	v5 =	vmul.f32 $1.600000000e+01, v5;
	s0 =	sor.u32 s10, s3;
	[tilespmem:s30+$0xE400] =	vst v21;
	v7 =	vadd.f32 v24, v7  }
0xec: {  	v3 =	vmul.f32 $1.600000000e+01, v3;
	v23 =	vld [tilespmem:s0+$0xE400];
	[tilespmem:s30+$0xE410] =	vst v16;
	v6 =	vadd.f32 v22, v6  }
0xed: {  	v4 =	vmul.f32 $1.600000000e+01, v4;
	v16 =	vld [tilespmem:s0+$0xE410];
	[tilespmem:s30+$0xE420] =	vst v15;
	v5 =	vadd.f32 v20, v5  }
0xee: {  	v15 =	vld [tilespmem:s0+$0xE420];
	[tilespmem:s30+$0xE430] =	vst v14;
	v3 =	vadd.f32 v19, v3  }
0xef: {  	v14 =	vld [tilespmem:s0+$0xE430];
	[tilespmem:s30+$0xE440] =	vst v13;
	v4 =	vadd.f32 v18, v4  }
0xf0: {  	v13 =	vld [tilespmem:s0+$0xE440];
	[tilespmem:s30+$0xE450] =	vst v12  }
0xf1: {  	v12 =	vld [tilespmem:s0+$0xE450];
	[tilespmem:s30+$0xE460] =	vst v11  }
0xf2: {  	v11 =	vld [tilespmem:s0+$0xE460];
	[tilespmem:s30+$0xE470] =	vst v10  }
0xf3: {  	v10 =	vld [tilespmem:s0+$0xE470];
	[tilespmem:s30+$0xE800] =	vst v9  }
0xf4: {  	v9 =	vld [tilespmem:s0+$0xE800];
	[tilespmem:s30+$0xE810] =	vst v8  }
0xf5: {  	v8 =	vld [tilespmem:s0+$0xE810];
	[tilespmem:s30+$0xE820] =	vst v7  }
0xf6: {  	s31 =	sadd.s32 $0x1, s31;
	v7 =	vld [tilespmem:s0+$0xE820];
	[tilespmem:s30+$0xE830] =	vst v6  }
0xf7: {  	s3 =	sadd.s32 $0xFFFFFF38, s31;
	v6 =	vld [tilespmem:s0+$0xE830];
	[tilespmem:s30+$0xE840] =	vst v5  }
0xf8: {  	s3 =	smin.u32 s3, s31;
	v5 =	vld [tilespmem:s0+$0xE840];
	[tilespmem:s30+$0xE850] =	vst v3  }
0xf9: {  	s10 =	sshll.u32 s3, $0x8;
	s3 =	sshll.u32 s3, $0x7;
	v3 =	vld [tilespmem:s0+$0xE850];
	[tilespmem:s30+$0xE860] =	vst v4;
	s30 =	smov.u32 s0  }
0xfa: {  	s3 =	sand.u32 $0x380, s3;
	s0 =	sand.u32 $0xFFFFF800, s10;
	v4 =	vld [tilespmem:s30+$0xE860]  }
.Ltmp0:
0xfb: {  	s0 =	sor.u32 s3, s0;
	v17 =	vld [tilespmem:s30+$0xE870];
	(pc) =	sbr.rel @p0 .LBB2_3-.Ltmp0, $4  }
0xfc: {  	v21 =	vld [tilespmem:s0+$0x1C00]  }
0xfd: {  	v20 =	vld [tilespmem:s0+$0x1C10]  }
0xfe: {  	v19 =	vld [tilespmem:s0+$0x1C20]  }
0xff: {  	s2 =	sadd.s32 $0x100, s2;
	v22 =	vmul.f32 $1.600000000e+01, v23;
	v18 =	vld [tilespmem:s0+$0x1C30]  }
0x100: {  	v23 =	vld [tilespmem:s0+$0x1C40]  }
0x101: {  	v24 =	vld [tilespmem:s0+$0x1C50]  }
0x102: {  	v25 =	vld [tilespmem:s0+$0x1C60]  }
0x103: {  	v26 =	vld [tilespmem:s0+$0x1C70]  }
0x104: {  	v27 =	vld [tilespmem:s0+$0x2070]  }
0x105: {  	v28 =	vld [tilespmem:s0+$0x2000]  }
0x106: {  	v29 =	vld [tilespmem:s0+$0x2010]  }
0x107: {  	v30 =	vld [tilespmem:s0+$0x2020]  }
0x108: {  	v31 =	vld [tilespmem:s0+$0x2030];
	v16 =	vmul.f32 $1.600000000e+01, v16  }
0x109: {  	v32 =	vld [tilespmem:s0+$0x2040];
	v15 =	vmul.f32 $1.600000000e+01, v15;
	v21 =	vadd.f32 v21, v22  }
0x10a: {  	v62 =	vld [tilespmem:s0+$0x2050];
	v14 =	vmul.f32 $1.600000000e+01, v14;
	v16 =	vadd.f32 v20, v16  }
0x10b: {  	v17 =	vmul.f32 $1.600000000e+01, v17;
	v63 =	vld [tilespmem:s0+$0x2060];
	v15 =	vadd.f32 v19, v15;
	[tilespmem:s30+$0xE400] =	vst v21  }
0x10c: {  	v13 =	vmul.f32 $1.600000000e+01, v13;
	v14 =	vadd.f32 v18, v14;
	[tilespmem:s30+$0xE410] =	vst v16  }
0x10d: {  	v12 =	vmul.f32 $1.600000000e+01, v12;
	v17 =	vadd.f32 v27, v17;
	[tilespmem:s30+$0xE420] =	vst v15  }
0x10e: {  	v11 =	vmul.f32 $1.600000000e+01, v11;
	v13 =	vadd.f32 v23, v13;
	[tilespmem:s30+$0xE430] =	vst v14  }
0x10f: {  	v10 =	vmul.f32 $1.600000000e+01, v10;
	v12 =	vadd.f32 v24, v12;
	[tilespmem:s30+$0xE870] =	vst v17  }
0x110: {  	v9 =	vmul.f32 $1.600000000e+01, v9;
	v11 =	vadd.f32 v25, v11;
	[tilespmem:s30+$0xE440] =	vst v13  }
0x111: {  	v8 =	vmul.f32 $1.600000000e+01, v8;
	v10 =	vadd.f32 v26, v10;
	[tilespmem:s30+$0xE450] =	vst v12  }
0x112: {  	v7 =	vmul.f32 $1.600000000e+01, v7;
	v9 =	vadd.f32 v28, v9;
	[tilespmem:s30+$0xE460] =	vst v11  }
0x113: {  	v6 =	vmul.f32 $1.600000000e+01, v6;
	v8 =	vadd.f32 v29, v8;
	[tilespmem:s30+$0xE470] =	vst v10  }
0x114: {  	v5 =	vmul.f32 $1.600000000e+01, v5;
	v7 =	vadd.f32 v30, v7;
	[tilespmem:s30+$0xE800] =	vst v9  }
0x115: {  	v3 =	vmul.f32 $1.600000000e+01, v3;
	v6 =	vadd.f32 v31, v6;
	[tilespmem:s30+$0xE810] =	vst v8  }
0x116: {  	v4 =	vmul.f32 $1.600000000e+01, v4;
	v5 =	vadd.f32 v32, v5;
	[tilespmem:s30+$0xE820] =	vst v7  }
0x117: {  	v3 =	vadd.f32 v62, v3;
	[tilespmem:s30+$0xE830] =	vst v6  }
0x118: {  	s31 =	sadd.s32 s6, s25;
	v4 =	vadd.f32 v63, v4;
	[tilespmem:s30+$0xE840] =	vst v5  }
0x119: {  	s0 =	sshll.u32 s31, $0x5;
	[tilespmem:s30+$0xE850] =	vst v3  }
0x11a: {  	s0 =	sadd.s32 s4, s0;
	[tilespmem:s30+$0xE860] =	vst v4  }
0x11b: {  	[hbm4b:s0+s5] =	stream.linear.scatter [tilespmem:s11], [sflag:$0x3], $0x8000, $0x38;
	[tilespmem:$0x1E400] =	vst v63  }
0x11c: {  	p0 =	seq.s32 s22, $0x18;
	_ =	swait.ge [sflag:s18], $0x8000  }
.Ltmp1:
0x11d: {  	[sflag:s18] =	ssyncset.done $0x0;
	(pc) =	sbr.rel @p0 .LBB2_6-.Ltmp1, $4  }
0x11e: {  	[sflag:s18] =	ssyncadd.s32 $0xFFFF8000  }
0x11f: {  	_ =	swait.ge [sflag:s19], $0x8000  }
0x120: {  	[sflag:s19] =	ssyncset.done $0x0  }
0x121: {  	[sflag:s19] =	ssyncadd.s32 $0xFFFF8000  }
0x122: {  	s0 =	sand.u32 $0x3FFFFF00, s25  }
0x123: {  	v3 =	vld [tilespmem:s0+$0x100];
	_ =	sdelay $0x4  }
0x124: {  	v4 =	vshll.u32 v3, $0x1  }
0x125: {  	v3 =	vand.u32 $0x7, v3;
	v4 =	vand.u32 $0xFFFFFFF0, v4  }
0x126: {  	v3 =	vor.u32 v3, v4  }
0x127: {  	v4 =	vperm.xlane v3, v0;
	_ =	sdelay $0x1  }
0x128: {  	v3 =	vperm.xlane v3, v2;
	v4 =	vadd.s32 v1, v4;
	_ =	sdelay $0x1  }
0x129: {  	v3 =	vadd.s32 v1, v3;
	_ =	sdelay $0x2  }
0x12a: {  	[tilespmem:s11], [sflag:$0x1] =	stream.indirect_vreg.gather [hbm4b:s1+s5], $0x80, v4, vm0, $0xb8;
	[tilespmem:$0x1E400] =	vst v63  }
0x12b: {  	s2 =	simm.s32 $0xEC00  }
0x12c: {  	[tilespmem:s2], [sflag:$0x1] =	stream.indirect_vreg.gather [hbm4b:s1+s5], $0x80, v3, vm0, $0xb8;
	[tilespmem:$0x1E400] =	vst v63  }
0x12d: {  	v3 =	vld [tilespmem:s0+$0x110];
	_ =	sdelay $0x4  }
0x12e: {  	v57 =	vshll.u32 v3, $0x1  }
0x12f: {  	v3 =	vand.u32 $0x7, v3;
	v4 =	vand.u32 $0xFFFFFFF0, v57  }
0x130: {  	v3 =	vor.u32 v3, v4  }
0x131: {  	v4 =	vperm.xlane v3, v0;
	_ =	sdelay $0x1  }
0x132: {  	v3 =	vperm.xlane v3, v2;
	v4 =	vadd.s32 v1, v4;
	_ =	sdelay $0x1  }
0x133: {  	v3 =	vadd.s32 v1, v3;
	_ =	sdelay $0x1  }
0x134: {  	s30 =	simm.s32 $0xF400  }
0x135: {  	[tilespmem:s30], [sflag:$0x1] =	stream.indirect_vreg.gather [hbm4b:s1+s5], $0x80, v4, vm0, $0xb8;
	[tilespmem:$0x1E400] =	vst v63  }
0x136: {  	s31 =	simm.s32 $0xFC00  }
0x137: {  	[tilespmem:s31], [sflag:$0x1] =	stream.indirect_vreg.gather [hbm4b:s1+s5], $0x80, v3, vm0, $0xb8;
	[tilespmem:$0x1E400] =	vst v63  }
0x138: {  	v3 =	vld [tilespmem:s0+$0x120];
	_ =	sdelay $0x4  }
0x139: {  	v58 =	vshll.u32 v3, $0x1  }
0x13a: {  	v3 =	vand.u32 $0x7, v3;
	v4 =	vand.u32 $0xFFFFFFF0, v58  }
0x13b: {  	v3 =	vor.u32 v3, v4  }
0x13c: {  	v4 =	vperm.xlane v3, v0;
	_ =	sdelay $0x1  }
0x13d: {  	v3 =	vperm.xlane v3, v2;
	v4 =	vadd.s32 v1, v4;
	_ =	sdelay $0x1  }
0x13e: {  	v3 =	vadd.s32 v1, v3;
	_ =	sdelay $0x1  }
0x13f: {  	s3 =	simm.s32 $0x10400  }
0x140: {  	[tilespmem:s3], [sflag:$0x1] =	stream.indirect_vreg.gather [hbm4b:s1+s5], $0x80, v4, vm0, $0xb8;
	[tilespmem:$0x1E400] =	vst v63  }
0x141: {  	s10 =	simm.s32 $0x10C00  }
0x142: {  	[tilespmem:s10], [sflag:$0x1] =	stream.indirect_vreg.gather [hbm4b:s1+s5], $0x80, v3, vm0, $0xb8;
	[tilespmem:$0x1E400] =	vst v63  }
0x143: {  	v3 =	vld [tilespmem:s0+$0x130];
	_ =	sdelay $0x4  }
0x144: {  	v59 =	vshll.u32 v3, $0x1  }
0x145: {  	v3 =	vand.u32 $0x7, v3;
	v4 =	vand.u32 $0xFFFFFFF0, v59  }
0x146: {  	v3 =	vor.u32 v3, v4  }
0x147: {  	v4 =	vperm.xlane v3, v0;
	_ =	sdelay $0x1  }
0x148: {  	v3 =	vperm.xlane v3, v2;
	v4 =	vadd.s32 v1, v4;
	_ =	sdelay $0x1  }
0x149: {  	v3 =	vadd.s32 v1, v3;
	_ =	sdelay $0x1  }
0x14a: {  	s25 =	simm.s32 $0x11400  }
0x14b: {  	[tilespmem:s25], [sflag:$0x1] =	stream.indirect_vreg.gather [hbm4b:s1+s5], $0x80, v4, vm0, $0xb8;
	[tilespmem:$0x1E400] =	vst v63  }
0x14c: {  	s26 =	simm.s32 $0x11C00  }
0x14d: {  	[tilespmem:s26], [sflag:$0x1] =	stream.indirect_vreg.gather [hbm4b:s1+s5], $0x80, v3, vm0, $0xb8;
	[tilespmem:$0x1E400] =	vst v63  }
0x14e: {  	v3 =	vld [tilespmem:s0+$0x140];
	_ =	sdelay $0x4  }
0x14f: {  	v60 =	vshll.u32 v3, $0x1  }
0x150: {  	v3 =	vand.u32 $0x7, v3;
	v4 =	vand.u32 $0xFFFFFFF0, v60  }
0x151: {  	v3 =	vor.u32 v3, v4  }
0x152: {  	v4 =	vperm.xlane v3, v0;
	_ =	sdelay $0x1  }
0x153: {  	v3 =	vperm.xlane v3, v2;
	v4 =	vadd.s32 v1, v4;
	_ =	sdelay $0x1  }
0x154: {  	v3 =	vadd.s32 v1, v3;
	_ =	sdelay $0x1  }
0x155: {  	s30 =	simm.s32 $0x12400  }
0x156: {  	[tilespmem:s30], [sflag:$0x1] =	stream.indirect_vreg.gather [hbm4b:s1+s5], $0x80, v4, vm0, $0xb8;
	[tilespmem:$0x1E400] =	vst v63  }
0x157: {  	s31 =	simm.s32 $0x12C00  }
0x158: {  	[tilespmem:s31], [sflag:$0x1] =	stream.indirect_vreg.gather [hbm4b:s1+s5], $0x80, v3, vm0, $0xb8;
	[tilespmem:$0x1E400] =	vst v63  }
0x159: {  	v3 =	vld [tilespmem:s0+$0x150];
	_ =	sdelay $0x4  }
0x15a: {  	v61 =	vshll.u32 v3, $0x1  }
0x15b: {  	v3 =	vand.u32 $0x7, v3;
	v4 =	vand.u32 $0xFFFFFFF0, v61  }
0x15c: {  	v3 =	vor.u32 v3, v4  }
0x15d: {  	v4 =	vperm.xlane v3, v0;
	_ =	sdelay $0x1  }
0x15e: {  	v3 =	vperm.xlane v3, v2;
	v4 =	vadd.s32 v1, v4;
	_ =	sdelay $0x1  }
0x15f: {  	v3 =	vadd.s32 v1, v3;
	_ =	sdelay $0x1  }
0x160: {  	s3 =	simm.s32 $0x13400  }
0x161: {  	[tilespmem:s3], [sflag:$0x1] =	stream.indirect_vreg.gather [hbm4b:s1+s5], $0x80, v4, vm0, $0xb8;
	[tilespmem:$0x1E400] =	vst v63  }
0x162: {  	s10 =	simm.s32 $0x13C00  }
0x163: {  	[tilespmem:s10], [sflag:$0x1] =	stream.indirect_vreg.gather [hbm4b:s1+s5], $0x80, v3, vm0, $0xb8;
	[tilespmem:$0x1E400] =	vst v63  }
0x164: {  	v3 =	vld [tilespmem:s0+$0x160];
	_ =	sdelay $0x4  }
0x165: {  	v62 =	vshll.u32 v3, $0x1  }
0x166: {  	v3 =	vand.u32 $0x7, v3;
	v4 =	vand.u32 $0xFFFFFFF0, v62  }
0x167: {  	v3 =	vor.u32 v3, v4  }
0x168: {  	v4 =	vperm.xlane v3, v0;
	_ =	sdelay $0x1  }
0x169: {  	v3 =	vperm.xlane v3, v2;
	v4 =	vadd.s32 v1, v4;
	_ =	sdelay $0x1  }
0x16a: {  	v3 =	vadd.s32 v1, v3;
	_ =	sdelay $0x1  }
0x16b: {  	s25 =	simm.s32 $0x14400  }
0x16c: {  	[tilespmem:s25], [sflag:$0x1] =	stream.indirect_vreg.gather [hbm4b:s1+s5], $0x80, v4, vm0, $0xb8;
	[tilespmem:$0x1E400] =	vst v63  }
0x16d: {  	s26 =	simm.s32 $0x14C00  }
0x16e: {  	[tilespmem:s26], [sflag:$0x1] =	stream.indirect_vreg.gather [hbm4b:s1+s5], $0x80, v3, vm0, $0xb8;
	[tilespmem:$0x1E400] =	vst v63  }
0x16f: {  	v3 =	vld [tilespmem:s0+$0x170];
	_ =	sdelay $0x4  }
0x170: {  	v63 =	vshll.u32 v3, $0x1  }
0x171: {  	v3 =	vand.u32 $0x7, v3;
	v4 =	vand.u32 $0xFFFFFFF0, v63  }
0x172: {  	v3 =	vor.u32 v3, v4  }
0x173: {  	v4 =	vperm.xlane v3, v0;
	_ =	sdelay $0x1  }
0x174: {  	v3 =	vperm.xlane v3, v2;
	v4 =	vadd.s32 v1, v4;
	_ =	sdelay $0x1  }
0x175: {  	v3 =	vadd.s32 v1, v3;
	_ =	sdelay $0x1  }
0x176: {  	s30 =	simm.s32 $0x15400  }
0x177: {  	[tilespmem:s30], [sflag:$0x1] =	stream.indirect_vreg.gather [hbm4b:s1+s5], $0x80, v4, vm0, $0xb8;
	[tilespmem:$0x1E400] =	vst v63  }
0x178: {  	s31 =	simm.s32 $0x15C00  }
0x179: {  	[tilespmem:s31], [sflag:$0x1] =	stream.indirect_vreg.gather [hbm4b:s1+s5], $0x80, v3, vm0, $0xb8;
	[tilespmem:$0x1E400] =	vst v63  }
.LBB2_6:
0x17a: {  	s30 =	simm.s32 $0x0  }
0x17b: {  	s0 =	sand.u32 $0x7800, s30;
	s2 =	sand.u32 $0x380, s30  }
0x17c: {  	s26 =	sor.u32 s2, s0  }
0x17d: {  	s25 =	sadd.s32 $0x16400, s26;
	v5 =	vld [tilespmem:s26+$0x16400]  }
0x17e: {  	v13 =	vld [tilespmem:s25+$0x10]  }
0x17f: {  	v14 =	vld [tilespmem:s25+$0x20]  }
0x180: {  	v20 =	vld [tilespmem:s25+$0x30]  }
0x181: {  	v16 =	vld [tilespmem:s25+$0x40]  }
0x182: {  	v15 =	vld [tilespmem:s25+$0x50]  }
0x183: {  	v11 =	vld [tilespmem:s25+$0x60]  }
0x184: {  	v12 =	vld [tilespmem:s25+$0x70]  }
0x185: {  	s0 =	sadd.s32 $0x80, s24;
	v9 =	vld [tilespmem:s25+$0x400]  }
0x186: {  	s2 =	sadd.s32 $0xFFFFFFB8, s24;
	p0 =	sgt.u32 s0, $0xC7;
	v10 =	vld [tilespmem:s25+$0x410]  }
0x187: {  	s0 =	smov.u32 @p0 s2;
	v7 =	vld [tilespmem:s25+$0x420]  }
0x188: {  	v6 =	vld [tilespmem:s25+$0x430];
	s2 =	sshll.u32 s0, $0x8;
	s0 =	sshll.u32 s0, $0x7  }
0x189: {  	v3 =	vld [tilespmem:s25+$0x440];
	s2 =	sand.u32 $0xFFFFF800, s2;
	s0 =	sand.u32 $0x380, s0  }
0x18a: {  	v8 =	vld [tilespmem:s25+$0x450];
	s2 =	sor.u32 s0, s2  }
0x18b: {  	v19 =	vld [tilespmem:s2+$0x1C30]  }
0x18c: {  	v4 =	vld [tilespmem:s25+$0x460]  }
0x18d: {  	v18 =	vld [tilespmem:s25+$0x470]  }
0x18e: {  	v17 =	vld [tilespmem:s2+$0x1C00];
	v21 =	vmul.f32 $1.600000000e+01, v20  }
0x18f: {  	s31 =	simm.s32 $0x100;
	v20 =	vld [tilespmem:s2+$0x1C10]  }
.LBB2_7:
0x190: {  	p0 =	sne.s32 s31, $0x7F00;
	v22 =	vld [tilespmem:s2+$0x1C20];
	v19 =	vadd.f32 v19, v21  }
0x191: {  	v21 =	vld [tilespmem:s2+$0x1C40]  }
0x192: {  	v13 =	vmul.f32 $1.600000000e+01, v13;
	v23 =	vld [tilespmem:s2+$0x1C50]  }
0x193: {  	v14 =	vmul.f32 $1.600000000e+01, v14;
	v24 =	vld [tilespmem:s2+$0x1C60]  }
0x194: {  	v16 =	vmul.f32 $1.600000000e+01, v16;
	v25 =	vld [tilespmem:s2+$0x1C70];
	v13 =	vadd.f32 v20, v13  }
0x195: {  	v15 =	vmul.f32 $1.600000000e+01, v15;
	v20 =	vld [tilespmem:s2+$0x2070];
	v14 =	vadd.f32 v22, v14  }
0x196: {  	v11 =	vmul.f32 $1.600000000e+01, v11;
	v22 =	vld [tilespmem:s2+$0x2000];
	v16 =	vadd.f32 v21, v16  }
0x197: {  	v12 =	vmul.f32 $1.600000000e+01, v12;
	v21 =	vld [tilespmem:s2+$0x2010];
	v15 =	vadd.f32 v23, v15  }
0x198: {  	v18 =	vmul.f32 $1.600000000e+01, v18;
	v23 =	vld [tilespmem:s2+$0x2020];
	v11 =	vadd.f32 v24, v11  }
0x199: {  	v5 =	vmul.f32 $1.600000000e+01, v5;
	v9 =	vmul.f32 $1.600000000e+01, v9;
	v24 =	vld [tilespmem:s2+$0x2030];
	v12 =	vadd.f32 v25, v12  }
0x19a: {  	v10 =	vmul.f32 $1.600000000e+01, v10;
	v25 =	vld [tilespmem:s2+$0x2040];
	v18 =	vadd.f32 v20, v18  }
0x19b: {  	v7 =	vmul.f32 $1.600000000e+01, v7;
	s30 =	sadd.s32 $0x80, s30;
	v5 =	vadd.f32 v17, v5;
	v20 =	vld [tilespmem:s2+$0x2050];
	v9 =	vadd.f32 v22, v9  }
0x19c: {  	s0 =	sand.u32 $0x7800, s31;
	v6 =	vmul.f32 $1.600000000e+01, v6;
	s3 =	sand.u32 $0x380, s30;
	v17 =	vld [tilespmem:s2+$0x2060];
	v10 =	vadd.f32 v21, v10;
	[tilespmem:s25+$0x470] =	vst v18  }
0x19d: {  	v3 =	vmul.f32 $1.600000000e+01, v3;
	[tilespmem:s26+$0x16400] =	vst v5;
	s26 =	sor.u32 s3, s0;
	v7 =	vadd.f32 v23, v7  }
0x19e: {  	v5 =	vmul.f32 $1.600000000e+01, v8;
	s0 =	sadd.s32 $0x16400, s26;
	[tilespmem:s25+$0x10] =	vst v13;
	v6 =	vadd.f32 v24, v6  }
0x19f: {  	v4 =	vmul.f32 $1.600000000e+01, v4;
	v13 =	vld [tilespmem:s0+$0x10];
	[tilespmem:s25+$0x20] =	vst v14;
	v3 =	vadd.f32 v25, v3  }
0x1a0: {  	v14 =	vld [tilespmem:s0+$0x20];
	[tilespmem:s25+$0x30] =	vst v19;
	v8 =	vadd.f32 v20, v5  }
0x1a1: {  	v5 =	vld [tilespmem:s26+$0x16400];
	[tilespmem:s25+$0x40] =	vst v16;
	v4 =	vadd.f32 v17, v4  }
0x1a2: {  	v20 =	vld [tilespmem:s0+$0x30];
	[tilespmem:s25+$0x50] =	vst v15  }
0x1a3: {  	v16 =	vld [tilespmem:s0+$0x40];
	[tilespmem:s25+$0x60] =	vst v11  }
0x1a4: {  	v15 =	vld [tilespmem:s0+$0x50];
	[tilespmem:s25+$0x70] =	vst v12  }
0x1a5: {  	s24 =	sadd.s32 $0x1, s24;
	v11 =	vld [tilespmem:s0+$0x60];
	[tilespmem:s25+$0x400] =	vst v9  }
0x1a6: {  	s2 =	sadd.s32 $0x80, s24;
	v12 =	vld [tilespmem:s0+$0x70];
	[tilespmem:s25+$0x410] =	vst v10  }
0x1a7: {  	p1 =	sgt.u32 s2, $0xC7;
	s3 =	sadd.s32 $0xFFFFFFB8, s24;
	v9 =	vld [tilespmem:s0+$0x400];
	[tilespmem:s25+$0x420] =	vst v7  }
0x1a8: {  	s2 =	smov.u32 @p1 s3;
	v10 =	vld [tilespmem:s0+$0x410];
	[tilespmem:s25+$0x430] =	vst v6  }
0x1a9: {  	s3 =	sshll.u32 s2, $0x8;
	s2 =	sshll.u32 s2, $0x7;
	v7 =	vld [tilespmem:s0+$0x420];
	[tilespmem:s25+$0x440] =	vst v3  }
0x1aa: {  	s3 =	sand.u32 $0xFFFFF800, s3;
	s2 =	sand.u32 $0x380, s2;
	v6 =	vld [tilespmem:s0+$0x430];
	[tilespmem:s25+$0x450] =	vst v8  }
0x1ab: {  	s2 =	sor.u32 s2, s3;
	v3 =	vld [tilespmem:s0+$0x440];
	[tilespmem:s25+$0x460] =	vst v4;
	s25 =	smov.u32 s0  }
0x1ac: {  	v17 =	vld [tilespmem:s2+$0x1C00]  }
.Ltmp2:
0x1ad: {  	v19 =	vld [tilespmem:s2+$0x1C30];
	(pc) =	sbr.rel @p0 .LBB2_7-.Ltmp2, $4  }
0x1ae: {  	v8 =	vld [tilespmem:s25+$0x450]  }
0x1af: {  	v4 =	vld [tilespmem:s25+$0x460]  }
0x1b0: {  	v21 =	vmul.f32 $1.600000000e+01, v20;
	v18 =	vld [tilespmem:s25+$0x470]  }
0x1b1: {  	s31 =	sadd.s32 $0x100, s31;
	v20 =	vld [tilespmem:s2+$0x1C10]  }
0x1b2: {  	v22 =	vld [tilespmem:s2+$0x1C20]  }
0x1b3: {  	v23 =	vld [tilespmem:s2+$0x1C40]  }
0x1b4: {  	v24 =	vld [tilespmem:s2+$0x1C50]  }
0x1b5: {  	v25 =	vld [tilespmem:s2+$0x1C60]  }
0x1b6: {  	v26 =	vld [tilespmem:s2+$0x1C70]  }
0x1b7: {  	v27 =	vld [tilespmem:s2+$0x2070]  }
0x1b8: {  	v28 =	vld [tilespmem:s2+$0x2000]  }
0x1b9: {  	v29 =	vld [tilespmem:s2+$0x2010]  }
0x1ba: {  	v30 =	vld [tilespmem:s2+$0x2020];
	v5 =	vmul.f32 $1.600000000e+01, v5  }
0x1bb: {  	v31 =	vld [tilespmem:s2+$0x2030]  }
0x1bc: {  	v32 =	vld [tilespmem:s2+$0x2040];
	v13 =	vmul.f32 $1.600000000e+01, v13;
	v5 =	vadd.f32 v17, v5  }
0x1bd: {  	v55 =	vld [tilespmem:s2+$0x2050];
	v58 =	vadd.f32 v19, v21;
	v18 =	vmul.f32 $1.600000000e+01, v18  }
0x1be: {  	v14 =	vmul.f32 $1.600000000e+01, v14;
	v56 =	vld [tilespmem:s2+$0x2060];
	v13 =	vadd.f32 v20, v13;
	[tilespmem:s26+$0x16400] =	vst v5  }
0x1bf: {  	v57 =	vmul.f32 $1.600000000e+01, v16;
	v18 =	vadd.f32 v27, v18;
	[tilespmem:s25+$0x30] =	vst v58  }
0x1c0: {  	v11 =	vmul.f32 $1.600000000e+01, v11;
	v14 =	vadd.f32 v22, v14;
	[tilespmem:s25+$0x10] =	vst v13  }
0x1c1: {  	v12 =	vmul.f32 $1.600000000e+01, v12;
	v5 =	vadd.f32 v23, v57;
	[tilespmem:s25+$0x470] =	vst v18  }
0x1c2: {  	v9 =	vmul.f32 $1.600000000e+01, v9;
	v11 =	vadd.f32 v25, v11;
	[tilespmem:s25+$0x20] =	vst v14  }
0x1c3: {  	v10 =	vmul.f32 $1.600000000e+01, v10;
	v60 =	vadd.f32 v26, v12;
	[tilespmem:s25+$0x40] =	vst v5  }
0x1c4: {  	v7 =	vmul.f32 $1.600000000e+01, v7;
	v9 =	vadd.f32 v28, v9;
	[tilespmem:s25+$0x60] =	vst v11  }
0x1c5: {  	v6 =	vmul.f32 $1.600000000e+01, v6;
	v10 =	vadd.f32 v29, v10;
	[tilespmem:s25+$0x70] =	vst v60  }
0x1c6: {  	v3 =	vmul.f32 $1.600000000e+01, v3;
	v61 =	vadd.f32 v30, v7;
	[tilespmem:s25+$0x400] =	vst v9  }
0x1c7: {  	v62 =	vmul.f32 $1.600000000e+01, v8;
	v6 =	vadd.f32 v31, v6;
	[tilespmem:s25+$0x410] =	vst v10  }
0x1c8: {  	s22 =	sadd.s32 $0x1, s22;
	v4 =	vmul.f32 $1.600000000e+01, v4;
	v3 =	vadd.f32 v32, v3;
	[tilespmem:s25+$0x420] =	vst v61  }
0x1c9: {  	v59 =	vmul.f32 $1.600000000e+01, v15;
	p0 =	sne.s32 s22, $0x19;
	v63 =	vadd.f32 v55, v62;
	[tilespmem:s25+$0x430] =	vst v6  }
.Ltmp3:
0x1ca: {  	v4 =	vadd.f32 v56, v4;
	[tilespmem:s25+$0x440] =	vst v3;
	(pc) =	sbr.rel @p0 .LBB2_2-.Ltmp3, $4  }
0x1cb: {  	s0 =	sadd.s32 s6, s23;
	v13 =	vadd.f32 v24, v59;
	[tilespmem:s25+$0x450] =	vst v63  }
0x1cc: {  	s0 =	sshll.u32 s0, $0x5;
	[tilespmem:s25+$0x460] =	vst v4  }
0x1cd: {  	s21 =	sadd.s32 $0x100, s21;
	s20 =	sadd.s32 $0x100, s20;
	s0 =	sadd.s32 s4, s0;
	[tilespmem:s25+$0x50] =	vst v13  }
0x1ce: {  	[hbm4b:s0+s5] =	stream.linear.scatter [tilespmem:s29], [sflag:$0x4], $0x8000, $0x38;
	[tilespmem:$0x1E400] =	vst v63  }
0x1cf: {  	s2 =	simm.s32 $0x4  }
0x1d0: {  	_ =	swait.ge [sflag:s2], $0x8000  }
0x1d1: {  	s3 =	rddreg [dreg:$0x7]  }
0x1d2: {  	s0 =	rddreg [dreg:$0x6];
	s3 =	sadd.s32 $0x1, s3  }
0x1d3: {  	p0 =	sne.s32 s3, s0  }
.Ltmp4:
0x1d4: {  	_ = 	snop;
	(pc) =	sbr.rel @p0 .LBB2_1-.Ltmp4, $3  }
0x1d5: {  	_ =	sdelay $0x1  }
0x1d6: {  	[sflag:s2] =	ssyncset.done $0x0  }
0x1d7: {  	[sflag:s2] =	ssyncadd.s32 $0xFFFF8000  }
0x1d8: {  	_ =	sfence.sel $0x180000  }
0x1d9: {  	[bflag:$0x0] =	sbarrier.arrive $0xFFFF  }
0x1da: {  	_ =	strace $0x90000047  }
0x1db: {  	s0 =	stileid.u32;
	[bflag:$0x2] =	sbarrier.arrive $0xFFFF  }
0x1dc: {  	p0 =	sne.s32 s0, $0x0;
	s0 =	rddreg [dreg:$0x4]  }
0x1dd: {  	s0 =	sadd.s32 @!p0 $0x100000, s0  }
0x1de: {  	[sflag:s0] =	ssyncadd.tile.s32 @!p0 $0x1;
	_ =	shalt  }
.Lfunc_end2:
_tile_overlayer_lowered:
.L_overlay_start_2:
0x1df: {  	(tag) =	ssettag $0x2  }
0x1e0: {  	s0 =	rddreg [dreg:$0x0];
	s2 =	stileid.u32  }
0x1e1: {  	s1 =	rddreg [dreg:$0x1];
	p0 =	sne.s32 s2, $0x0  }
0x1e2: {  	s3 =	rddreg [dreg:$0x2];
	[bflag:$0x3] =	sbarrier.arrive $0xFFFF;
	s2 =	simm.s32 @!p0 $0x1C05  }
0x1e3: {  	[timem:s3], [sflag:s2] =	dma.local @!p0 [hbm:s0], s1  }
0x1e4: {  	s0 =	simm.s32 @!p0 $0x5  }
0x1e5: {  	_ =	swait.ge @!p0 [sflag:s0], s1  }
0x1e6: {  	s1 =	ssub.s32 @!p0 $0x0, s1;
	[sflag:s0] =	ssyncset.done @!p0 $0x0  }
0x1e7: {  	[sflag:s0] =	ssyncadd.s32 @!p0 s1  }
0x1e8: {  	[bflag:$0x3] =	sbarrier.arrive $0xFFFF  }
0x1e9: {  	_ =	shalt  }

</sc_bundles>
